<compile_context>
chip_gen: v7x
topology: tpu7x:2x2x1
jax: 0.10.2.dev20260603
libtpu: 0.0.44.dev20260713+nightly
codegen_flags: <defaults>
</compile_context>

<pallas_src>
import dataclasses

import jax
import jax.numpy as jnp
from jax import lax
from jax.experimental import pallas as pl
from jax.experimental.pallas import tpu as pltpu
from jax.experimental.pallas import tpu_sc as plsc

_START_VAL = 60.0
_END_VAL = 61.0

_B, _L = 16384, 200
_LOUT = _L + 2
_CH = 64
_NSLICE = (_LOUT + 15) // 16


def _sc_body(codes_hbm, table_hbm, out_hbm, table_v):
    pltpu.sync_copy(table_hbm, table_v)
    lane = lax.iota(jnp.int32, 16)

    cidxs = []
    for k in range(_NSLICE):
        cidx = lane + (16 * k - 1)
        if k == 0:
            cidx = jnp.maximum(cidx, 0)
        if 16 * (k + 1) > _L:
            cidx = jnp.minimum(cidx, _L - 1)
        cidxs.append(cidx)
    lastcol = lane + 16 * (_NSLICE - 1)
    lastcol_st = jnp.minimum(lastcol, _LOUT - 1)
    lastmask = lastcol <= _LOUT - 1
    startmask = lane == 0

    def _compute(codes_v, out_v):
        @plsc.parallel_loop(0, _CH, unroll=4)
        def _row(r):
            rsplat = jnp.broadcast_to(r, (16,))
            for k in range(_NSLICE):
                codes16 = plsc.load_gather(codes_v, [rsplat, cidxs[k]])
                tok = plsc.load_gather(table_v, [codes16])
                if k == 0:
                    tok = jnp.where(startmask, jnp.float32(_START_VAL), tok)
                if k == _NSLICE - 1:
                    tok = jnp.where(lastcol == _LOUT - 1,
                                    jnp.float32(_END_VAL), tok)
                    plsc.store_scatter(out_v, [rsplat, lastcol_st], tok,
                                       mask=lastmask)
                else:
                    out_v[r, pl.ds(16 * k, 16)] = tok

    pltpu.emit_pipeline(
        _compute,
        grid=(_B // _CH,),
        in_specs=[pl.BlockSpec((_CH, _L), lambda i: (i, 0))],
        out_specs=[pl.BlockSpec((_CH, _LOUT), lambda i: (i, 0))],
        core_axis_name=("c", "s"),
        dimension_semantics=(pltpu.PARALLEL,),
        trace_scopes=False,
    )(codes_hbm, out_hbm)


def kernel(char_codes, lookup_table):
    B, L = char_codes.shape
    mesh = plsc.VectorSubcoreMesh(core_axis_name="c", subcore_axis_name="s")
    cp = pltpu.CompilerParams()
    if "needs_layout_passes" in pltpu.CompilerParams.__dataclass_fields__:
        cp = dataclasses.replace(cp, needs_layout_passes=False)
    sc = pl.kernel(
        _sc_body,
        out_type=jax.ShapeDtypeStruct((B, L + 2), jnp.float32),
        mesh=mesh,
        scratch_types=[pltpu.VMEM((128,), jnp.float32)],
        compiler_params=cp,
    )
    return sc(char_codes, lookup_table)

# --- scband reference (transcript-rebuilt; emitter-appended) ---
"""Pipeline reference for scband-character-tokenizer-model-47244640256418 (READ-ONLY COPY).

The authoritative reference and input builder live on the scoring server;
editing this copy changes nothing except your own understanding.
"""

import jax, jax.numpy as jnp
import numpy as np

_CHARS = " !#$%&'()*+,-./0123456789:;=?@[_abcdefghijklmnopqrstuvwxyz~"
_START_ID = 60.0
_END_ID = 61.0


def _build_table():
    # codepoint -> char id; default -1 like tf StaticHashTable default_value
    table = np.full((128,), -1.0, dtype=np.float32)
    for i, c in enumerate(_CHARS):
        table[ord(c)] = float(i)
    return jnp.asarray(table)


def setup_inputs(seed: int = 0) -> dict:
    key = jax.random.key(seed)
    # Strings are not a tensor dtype in JAX; model each example as its
    # unicode codepoints (the result of tf.strings.unicode_split).
    char_codes = jax.random.randint(key, (16384, 200), 0, 128, dtype=jnp.int32)
    lookup_table = _build_table()
    return {"char_codes": char_codes, "lookup_table": lookup_table}


def reference(char_codes, lookup_table):
    # table_tokenize.lookup(chars): gather codepoint -> token id
    tokens = jnp.take(lookup_table, char_codes, axis=0)  # [B, L]
    B = char_codes.shape[0]
    start = jnp.full((B, 1), _START_ID, dtype=tokens.dtype)
    end = jnp.full((B, 1), _END_ID, dtype=tokens.dtype)
    # concat [START] + tokens + [END], reshape to [num_examples, -1]
    out = jnp.concatenate([start, tokens, end], axis=1)  # [B, L+2]
    return out

if __name__ == "__main__":
    import jax
    _d = setup_inputs()
    print(jax.jit(kernel)(*tuple(_d.values())))

</pallas_src>

<mosaic_0001>
#map = affine_map<(d0, d1) -> (0, 0)>
#map1 = affine_map<(d0, d1) -> (0)>
module attributes {stable_mosaic.version = 14 : i64} {
  func.func @_sc_body(%arg0: i32, %arg1: i32, %arg2: memref<16384x200xi32, #tpu.memory_space<hbm>>, %arg3: memref<128xf32, #tpu.memory_space<hbm>>, %arg4: memref<16384x202xf32, #tpu.memory_space<hbm>>, %arg5: memref<128xf32, #tpu.memory_space<vmem>>) attributes {dimension_semantics = [#tpu.dimension_semantics<core_parallel>, #tpu.dimension_semantics<subcore_parallel>], iteration_bounds = array<i64: 2, 16>, scalar_prefetch = 0 : i64, scratch_operands = 1 : i64, tpu.core_type = #tpu.core_type<sc_vector_subcore>, window_params = [{transform_indices = #map}, {transform_indices = #map1}, {transform_indices = #map}]} {
    "tpu.region"() ({
      %run_scoped3A = tpu.sem_alloc : memref<!tpu.dma_semaphore, #tpu.memory_space<semaphore_mem>>
      tpu.enqueue_dma source(%arg3 : memref<128xf32, #tpu.memory_space<hbm>>) target(%arg5 : memref<128xf32, #tpu.memory_space<vmem>>) target_semaphore(%run_scoped3A : memref<!tpu.dma_semaphore, #tpu.memory_space<semaphore_mem>>)
      tpu.wait_dma2 semaphore(%run_scoped3A : memref<!tpu.dma_semaphore, #tpu.memory_space<semaphore_mem>>) src(%arg3 : memref<128xf32, #tpu.memory_space<hbm>>) dst(%arg5 : memref<128xf32, #tpu.memory_space<vmem>>)
      tpu.yield
    }) : () -> ()
    %iota3A = tpu.iota {dimensions = array<i32: 0>} : vector<16xi32>
    %add3A = arith.constant -1 : i32
    %add3A_0 = vector.broadcast %add3A : i32 to vector<16xi32>
    %add3A_1 = arith.addi %iota3A, %add3A_0 : vector<16xi32>
    %max3A = arith.constant 0 : i32
    %max3A_2 = vector.broadcast %max3A : i32 to vector<16xi32>
    %max3A_3 = arith.maxsi %add3A_1, %max3A_2 : vector<16xi32>
    %add3A_4 = arith.constant 15 : i32
    %add3A_5 = vector.broadcast %add3A_4 : i32 to vector<16xi32>
    %add3A_6 = arith.addi %iota3A, %add3A_5 : vector<16xi32>
    %add3A_7 = arith.constant 31 : i32
    %add3A_8 = vector.broadcast %add3A_7 : i32 to vector<16xi32>
    %add3A_9 = arith.addi %iota3A, %add3A_8 : vector<16xi32>
    %add3A_10 = arith.constant 47 : i32
    %add3A_11 = vector.broadcast %add3A_10 : i32 to vector<16xi32>
    %add3A_12 = arith.addi %iota3A, %add3A_11 : vector<16xi32>
    %add3A_13 = arith.constant 63 : i32
    %add3A_14 = vector.broadcast %add3A_13 : i32 to vector<16xi32>
    %add3A_15 = arith.addi %iota3A, %add3A_14 : vector<16xi32>
    %add3A_16 = arith.constant 79 : i32
    %add3A_17 = vector.broadcast %add3A_16 : i32 to vector<16xi32>
    %add3A_18 = arith.addi %iota3A, %add3A_17 : vector<16xi32>
    %add3A_19 = arith.constant 95 : i32
    %add3A_20 = vector.broadcast %add3A_19 : i32 to vector<16xi32>
    %add3A_21 = arith.addi %iota3A, %add3A_20 : vector<16xi32>
    %add3A_22 = arith.constant 111 : i32
    %add3A_23 = vector.broadcast %add3A_22 : i32 to vector<16xi32>
    %add3A_24 = arith.addi %iota3A, %add3A_23 : vector<16xi32>
    %add3A_25 = arith.constant 127 : i32
    %add3A_26 = vector.broadcast %add3A_25 : i32 to vector<16xi32>
    %add3A_27 = arith.addi %iota3A, %add3A_26 : vector<16xi32>
    %add3A_28 = arith.constant 143 : i32
    %add3A_29 = vector.broadcast %add3A_28 : i32 to vector<16xi32>
    %add3A_30 = arith.addi %iota3A, %add3A_29 : vector<16xi32>
    %add3A_31 = arith.constant 159 : i32
    %add3A_32 = vector.broadcast %add3A_31 : i32 to vector<16xi32>
    %add3A_33 = arith.addi %iota3A, %add3A_32 : vector<16xi32>
    %add3A_34 = arith.constant 175 : i32
    %add3A_35 = vector.broadcast %add3A_34 : i32 to vector<16xi32>
    %add3A_36 = arith.addi %iota3A, %add3A_35 : vector<16xi32>
    %add3A_37 = arith.constant 191 : i32
    %add3A_38 = vector.broadcast %add3A_37 : i32 to vector<16xi32>
    %add3A_39 = arith.addi %iota3A, %add3A_38 : vector<16xi32>
    %min3A = arith.constant 199 : i32
    %min3A_40 = vector.broadcast %min3A : i32 to vector<16xi32>
    %min3A_41 = arith.minsi %add3A_39, %min3A_40 : vector<16xi32>
    %add3A_42 = arith.constant 192 : i32
    %add3A_43 = vector.broadcast %add3A_42 : i32 to vector<16xi32>
    %add3A_44 = arith.addi %iota3A, %add3A_43 : vector<16xi32>
    %min3A_45 = arith.constant 201 : i32
    %min3A_46 = vector.broadcast %min3A_45 : i32 to vector<16xi32>
    %min3A_47 = arith.minsi %add3A_44, %min3A_46 : vector<16xi32>
    %le3A = arith.constant 201 : i32
    %le3A_48 = vector.broadcast %le3A : i32 to vector<16xi32>
    %le3A_49 = arith.cmpi sle, %add3A_44, %le3A_48 : vector<16xi32>
    %eq3A = arith.constant 0 : i32
    %eq3A_50 = vector.broadcast %eq3A : i32 to vector<16xi32>
    %eq3A_51 = arith.cmpi eq, %iota3A, %eq3A_50 : vector<16xi32>
    %mul3A = arith.constant 1 : i32
    %mul3A_52 = arith.muli %arg1, %mul3A : i32
    %add3A_53 = arith.constant 0 : i32
    %add3A_54 = arith.addi %add3A_53, %mul3A_52 : i32
    %mul3A_55 = arith.constant 16 : i32
    %mul3A_56 = arith.muli %arg0, %mul3A_55 : i32
    %add3A_57 = arith.addi %add3A_54, %mul3A_56 : i32
    %mul3A_58 = arith.constant 8 : i32
    %mul3A_59 = arith.muli %add3A_57, %mul3A_58 : i32
    "tpu.region"() ({
      %run_scoped3A = memref.alloca() : memref<2x64x200xi32, #tpu.memory_space<vmem>>
      %run_scoped3A_60 = tpu.sem_alloc : memref<2x!tpu.dma_semaphore, #tpu.memory_space<semaphore_mem>>
      %run_scoped3A_61 = memref.alloca() : memref<2x64x202xf32, #tpu.memory_space<vmem>>
      %run_scoped3A_62 = tpu.sem_alloc : memref<2x!tpu.dma_semaphore, #tpu.memory_space<semaphore_mem>>
      %add3A_63 = arith.constant 0 : i32
      %add3A_64 = arith.addi %add3A_63, %mul3A_59 : i32
      %select_n3A = arith.constant true
      %select_n3A_65 = arith.constant 0 : i32
      %select_n3A_66 = arith.constant -1 : i32
      %select_n3A_67 = arith.select %select_n3A, %select_n3A_66, %select_n3A_65 : i32
      %eq3A_68 = arith.constant -1 : i32
      %eq3A_69 = arith.cmpi eq, %select_n3A_67, %eq3A_68 : i32
      %select_n3A_70 = arith.constant 7 : i32
      %select_n3A_71 = arith.select %eq3A_69, %select_n3A_70, %select_n3A_67 : i32
      %add3A_72 = arith.addi %select_n3A_71, %mul3A_59 : i32
      %select_n3A_73 = arith.constant true
      %select_n3A_74 = arith.constant 0 : i32
      %select_n3A_75 = arith.constant 1 : i32
      %select_n3A_76 = arith.select %select_n3A_73, %select_n3A_75, %select_n3A_74 : i32
      %eq3A_77 = arith.constant 8 : i32
      %eq3A_78 = arith.cmpi eq, %select_n3A_76, %eq3A_77 : i32
      %select_n3A_79 = arith.constant 0 : i32
      %select_n3A_80 = arith.select %eq3A_78, %select_n3A_79, %select_n3A_76 : i32
      %add3A_81 = arith.addi %select_n3A_80, %mul3A_59 : i32
      %add3A_82 = arith.constant 1 : i32
      %add3A_83 = arith.addi %select_n3A_80, %add3A_82 : i32
      %select_n3A_84 = arith.constant true
      %select_n3A_85 = arith.select %select_n3A_84, %add3A_83, %select_n3A_80 : i32
      %eq3A_86 = arith.constant 8 : i32
      %eq3A_87 = arith.cmpi eq, %select_n3A_85, %eq3A_86 : i32
      %select_n3A_88 = arith.constant 0 : i32
      %select_n3A_89 = arith.select %eq3A_87, %select_n3A_88, %select_n3A_85 : i32
      %add3A_90 = arith.addi %select_n3A_89, %mul3A_59 : i32
      %rem3A = arith.constant 0 : i32
      %rem3A_91 = arith.constant 2 : i32
      %rem3A_92 = arith.remui %rem3A, %rem3A_91 : i32
      %mul3A_93 = arith.constant 64 : i32
      %mul3A_94 = arith.muli %mul3A_93, %add3A_64 : i32
      %dma_start3A = arith.constant 0 : i32
      %dma_start3A_95 = arith.constant 0 : i32
      %dma_start3A_96 = tpu.memref_slice %run_scoped3A[%rem3A_92, %dma_start3A, %dma_start3A_95] : memref<2x64x200xi32, #tpu.memory_space<vmem>> -> memref<1x64x200xi32, #tpu.memory_space<vmem>>
      %dma_start3A_97 = tpu.memref_squeeze %dma_start3A_96 : memref<1x64x200xi32, #tpu.memory_space<vmem>> -> memref<64x200xi32, #tpu.memory_space<vmem>>
      %dma_start3A_98 = arith.constant 0 : i32
      %dma_start3A_99 = tpu.memref_slice %arg2[%mul3A_94, %dma_start3A_98] : memref<16384x200xi32, #tpu.memory_space<hbm>> -> memref<64x200xi32, #tpu.memory_space<hbm>>
      %dma_start3A_100 = tpu.memref_slice %run_scoped3A_60[%rem3A_92] : memref<2x!tpu.dma_semaphore, #tpu.memory_space<semaphore_mem>> -> memref<1x!tpu.dma_semaphore, #tpu.memory_space<semaphore_mem>>
      %dma_start3A_101 = tpu.memref_squeeze %dma_start3A_100 : memref<1x!tpu.dma_semaphore, #tpu.memory_space<semaphore_mem>> -> memref<!tpu.dma_semaphore, #tpu.memory_space<semaphore_mem>>
      %dma_start3A_102 = arith.constant 0 : i32
      %dma_start3A_103 = arith.constant 0 : i32
      %dma_start3A_104 = tpu.memref_slice %run_scoped3A[%rem3A_92, %dma_start3A_102, %dma_start3A_103] : memref<2x64x200xi32, #tpu.memory_space<vmem>> -> memref<1x64x200xi32, #tpu.memory_space<vmem>>
      %dma_start3A_105 = tpu.memref_squeeze %dma_start3A_104 : memref<1x64x200xi32, #tpu.memory_space<vmem>> -> memref<64x200xi32, #tpu.memory_space<vmem>>
      %dma_start3A_106 = arith.constant 0 : i32
      %dma_start3A_107 = tpu.memref_slice %arg2[%mul3A_94, %dma_start3A_106] : memref<16384x200xi32, #tpu.memory_space<hbm>> -> memref<64x200xi32, #tpu.memory_space<hbm>>
      tpu.enqueue_dma source(%dma_start3A_107 : memref<64x200xi32, #tpu.memory_space<hbm>>) target(%dma_start3A_105 : memref<64x200xi32, #tpu.memory_space<vmem>>) target_semaphore(%dma_start3A_101 : memref<!tpu.dma_semaphore, #tpu.memory_space<semaphore_mem>>)
      %add3A_108 = arith.constant 0 : i32
      %add3A_109 = arith.constant 1 : i32
      %add3A_110 = arith.addi %add3A_108, %add3A_109 : i32
      %select_n3A_111 = arith.constant true
      %select_n3A_112 = arith.constant 0 : i32
      %select_n3A_113 = arith.select %select_n3A_111, %add3A_110, %select_n3A_112 : i32
      %scan3A = arith.constant 0 : i32
      %scan3A_114 = arith.constant 0 : i32
      %scan3A_115 = arith.constant 0 : i32
      %scan3A_116 = arith.constant 0 : i32
      %scan3A_117 = arith.constant 0 : i32
      %scan3A_118 = arith.constant 8 : i32
      %scan3A_119 = arith.addi %scan3A_117, %scan3A_118 : i32
      %scan3A_120 = arith.constant 1 : i32
      %scan3A_121:5 = scf.for %scan3A_175 = %scan3A_117 to %scan3A_119 step %scan3A_120 iter_args(%scan3A_176 = %select_n3A_113, %scan3A_177 = %scan3A, %scan3A_178 = %scan3A_114, %scan3A_179 = %scan3A_115, %scan3A_180 = %scan3A_116) -> (i32, i32, i32, i32, i32)  : i32 {
        %eq3A_181 = arith.constant 0 : i32
        %eq3A_182 = arith.cmpi eq, %scan3A_175, %eq3A_181 : i32
        %eq3A_183 = arith.constant 7 : i32
        %eq3A_184 = arith.cmpi eq, %scan3A_175, %eq3A_183 : i32
        %add3A_185 = arith.addi %scan3A_180, %mul3A_59 : i32
        %sub3A_186 = arith.constant 1 : i32
        %sub3A_187 = arith.subi %scan3A_180, %sub3A_186 : i32
        %select_n3A_188 = arith.constant true
        %select_n3A_189 = arith.select %select_n3A_188, %sub3A_187, %scan3A_180 : i32
        %eq3A_190 = arith.constant -1 : i32
        %eq3A_191 = arith.cmpi eq, %select_n3A_189, %eq3A_190 : i32
        %select_n3A_192 = arith.constant 7 : i32
        %select_n3A_193 = arith.select %eq3A_191, %select_n3A_192, %select_n3A_189 : i32
        %add3A_194 = arith.addi %select_n3A_193, %mul3A_59 : i32
        %add3A_195 = arith.constant 1 : i32
        %add3A_196 = arith.addi %scan3A_180, %add3A_195 : i32
        %select_n3A_197 = arith.constant true
        %select_n3A_198 = arith.select %select_n3A_197, %add3A_196, %scan3A_180 : i32
        %eq3A_199 = arith.constant 8 : i32
        %eq3A_200 = arith.cmpi eq, %select_n3A_198, %eq3A_199 : i32
        %select_n3A_201 = arith.constant 0 : i32
        %select_n3A_202 = arith.select %eq3A_200, %select_n3A_201, %select_n3A_198 : i32
        %add3A_203 = arith.addi %select_n3A_202, %mul3A_59 : i32
        %add3A_204 = arith.constant 1 : i32
        %add3A_205 = arith.addi %select_n3A_202, %add3A_204 : i32
        %select_n3A_206 = arith.constant true
        %select_n3A_207 = arith.select %select_n3A_206, %add3A_205, %select_n3A_202 : i32
        %eq3A_208 = arith.constant 8 : i32
        %eq3A_209 = arith.cmpi eq, %select_n3A_207, %eq3A_208 : i32
        %select_n3A_210 = arith.constant 0 : i32
        %select_n3A_211 = arith.select %eq3A_209, %select_n3A_210, %select_n3A_207 : i32
        %add3A_212 = arith.addi %select_n3A_211, %mul3A_59 : i32
        %ne3A = arith.cmpi ne, %add3A_185, %add3A_203 : i32
        %or3A = arith.constant false
        %or3A_213 = arith.ori %or3A, %ne3A : i1
        %or3A_214 = arith.constant false
        %or3A_215 = arith.ori %or3A_213, %or3A_214 : i1
        %ge3A = arith.constant 7 : i32
        %ge3A_216 = arith.cmpi sge, %scan3A_175, %ge3A : i32
        %not3A = arith.constant true
        %not3A_217 = arith.xori %ge3A_216, %not3A : i1
        %and3A = arith.andi %or3A_215, %not3A_217 : i1
        %convert_element_type3A = arith.extui %and3A : i1 to i32
        %cond3A = arith.constant 0 : i32
        %cond3A_218 = arith.cmpi ne, %convert_element_type3A, %cond3A : i32
        scf.if %cond3A_218 {
          %rem3A_329 = arith.constant 2 : i32
          %rem3A_330 = arith.remui %scan3A_176, %rem3A_329 : i32
          %mul3A_331 = arith.constant 64 : i32
          %mul3A_332 = arith.muli %mul3A_331, %add3A_203 : i32
          %dma_start3A_333 = arith.constant 0 : i32
          %dma_start3A_334 = arith.constant 0 : i32
          %dma_start3A_335 = tpu.memref_slice %run_scoped3A[%rem3A_330, %dma_start3A_333, %dma_start3A_334] : memref<2x64x200xi32, #tpu.memory_space<vmem>> -> memref<1x64x200xi32, #tpu.memory_space<vmem>>
          %dma_start3A_336 = tpu.memref_squeeze %dma_start3A_335 : memref<1x64x200xi32, #tpu.memory_space<vmem>> -> memref<64x200xi32, #tpu.memory_space<vmem>>
          %dma_start3A_337 = arith.constant 0 : i32
          %dma_start3A_338 = tpu.memref_slice %arg2[%mul3A_332, %dma_start3A_337] : memref<16384x200xi32, #tpu.memory_space<hbm>> -> memref<64x200xi32, #tpu.memory_space<hbm>>
          %dma_start3A_339 = tpu.memref_slice %run_scoped3A_60[%rem3A_330] : memref<2x!tpu.dma_semaphore, #tpu.memory_space<semaphore_mem>> -> memref<1x!tpu.dma_semaphore, #tpu.memory_space<semaphore_mem>>
          %dma_start3A_340 = tpu.memref_squeeze %dma_start3A_339 : memref<1x!tpu.dma_semaphore, #tpu.memory_space<semaphore_mem>> -> memref<!tpu.dma_semaphore, #tpu.memory_space<semaphore_mem>>
          %dma_start3A_341 = arith.constant 0 : i32
          %dma_start3A_342 = arith.constant 0 : i32
          %dma_start3A_343 = tpu.memref_slice %run_scoped3A[%rem3A_330, %dma_start3A_341, %dma_start3A_342] : memref<2x64x200xi32, #tpu.memory_space<vmem>> -> memref<1x64x200xi32, #tpu.memory_space<vmem>>
          %dma_start3A_344 = tpu.memref_squeeze %dma_start3A_343 : memref<1x64x200xi32, #tpu.memory_space<vmem>> -> memref<64x200xi32, #tpu.memory_space<vmem>>
          %dma_start3A_345 = arith.constant 0 : i32
          %dma_start3A_346 = tpu.memref_slice %arg2[%mul3A_332, %dma_start3A_345] : memref<16384x200xi32, #tpu.memory_space<hbm>> -> memref<64x200xi32, #tpu.memory_space<hbm>>
          tpu.enqueue_dma source(%dma_start3A_346 : memref<64x200xi32, #tpu.memory_space<hbm>>) target(%dma_start3A_344 : memref<64x200xi32, #tpu.memory_space<vmem>>) target_semaphore(%dma_start3A_340 : memref<!tpu.dma_semaphore, #tpu.memory_space<semaphore_mem>>)
        } else {
        }
        %and3A_219 = arith.constant true
        %and3A_220 = arith.andi %and3A, %and3A_219 : i1
        %add3A_221 = arith.constant 1 : i32
        %add3A_222 = arith.addi %scan3A_176, %add3A_221 : i32
        %select_n3A_223 = arith.select %and3A_220, %add3A_222, %scan3A_176 : i32
        %ne3A_224 = arith.cmpi ne, %add3A_185, %add3A_203 : i32
        %or3A_225 = arith.constant false
        %or3A_226 = arith.ori %or3A_225, %ne3A_224 : i1
        %or3A_227 = arith.constant false
        %or3A_228 = arith.ori %or3A_226, %or3A_227 : i1
        %ge3A_229 = arith.constant 7 : i32
        %ge3A_230 = arith.cmpi sge, %scan3A_175, %ge3A_229 : i32
        %not3A_231 = arith.constant true
        %not3A_232 = arith.xori %ge3A_230, %not3A_231 : i1
        %and3A_233 = arith.andi %or3A_228, %not3A_232 : i1
        %ne3A_234 = arith.cmpi ne, %add3A_185, %add3A_194 : i32
        %or3A_235 = arith.constant false
        %or3A_236 = arith.ori %or3A_235, %ne3A_234 : i1
        %or3A_237 = arith.constant false
        %or3A_238 = arith.ori %or3A_236, %or3A_237 : i1
        %or3A_239 = arith.ori %or3A_238, %eq3A_182 : i1
        %convert_element_type3A_240 = arith.extui %or3A_239 : i1 to i32
        %cond3A_241 = arith.constant 0 : i32
        %cond3A_242 = arith.cmpi ne, %convert_element_type3A_240, %cond3A_241 : i32
        scf.if %cond3A_242 {
          %mul3A_329 = arith.constant 64 : i32
          %mul3A_330 = arith.muli %mul3A_329, %add3A_185 : i32
          %rem3A_331 = arith.constant 2 : i32
          %rem3A_332 = arith.remui %scan3A_177, %rem3A_331 : i32
          %dma_wait3A_333 = arith.constant 0 : i32
          %dma_wait3A_334 = arith.constant 0 : i32
          %dma_wait3A_335 = tpu.memref_slice %run_scoped3A[%rem3A_332, %dma_wait3A_333, %dma_wait3A_334] : memref<2x64x200xi32, #tpu.memory_space<vmem>> -> memref<1x64x200xi32, #tpu.memory_space<vmem>>
          %dma_wait3A_336 = tpu.memref_squeeze %dma_wait3A_335 : memref<1x64x200xi32, #tpu.memory_space<vmem>> -> memref<64x200xi32, #tpu.memory_space<vmem>>
          %dma_wait3A_337 = arith.constant 0 : i32
          %dma_wait3A_338 = tpu.memref_slice %arg2[%mul3A_330, %dma_wait3A_337] : memref<16384x200xi32, #tpu.memory_space<hbm>> -> memref<64x200xi32, #tpu.memory_space<hbm>>
          %dma_wait3A_339 = tpu.memref_slice %run_scoped3A_60[%rem3A_332] : memref<2x!tpu.dma_semaphore, #tpu.memory_space<semaphore_mem>> -> memref<1x!tpu.dma_semaphore, #tpu.memory_space<semaphore_mem>>
          %dma_wait3A_340 = tpu.memref_squeeze %dma_wait3A_339 : memref<1x!tpu.dma_semaphore, #tpu.memory_space<semaphore_mem>> -> memref<!tpu.dma_semaphore, #tpu.memory_space<semaphore_mem>>
          %dma_wait3A_341 = arith.constant 0 : i32
          %dma_wait3A_342 = arith.constant 0 : i32
          %dma_wait3A_343 = tpu.memref_slice %run_scoped3A[%rem3A_332, %dma_wait3A_341, %dma_wait3A_342] : memref<2x64x200xi32, #tpu.memory_space<vmem>> -> memref<1x64x200xi32, #tpu.memory_space<vmem>>
          %dma_wait3A_344 = tpu.memref_squeeze %dma_wait3A_343 : memref<1x64x200xi32, #tpu.memory_space<vmem>> -> memref<64x200xi32, #tpu.memory_space<vmem>>
          %dma_wait3A_345 = arith.constant 0 : i32
          %dma_wait3A_346 = tpu.memref_slice %arg2[%mul3A_330, %dma_wait3A_345] : memref<16384x200xi32, #tpu.memory_space<hbm>> -> memref<64x200xi32, #tpu.memory_space<hbm>>
          tpu.wait_dma2 semaphore(%dma_wait3A_340 : memref<!tpu.dma_semaphore, #tpu.memory_space<semaphore_mem>>) src(%dma_wait3A_346 : memref<64x200xi32, #tpu.memory_space<hbm>>) dst(%dma_wait3A_344 : memref<64x200xi32, #tpu.memory_space<vmem>>)
        } else {
        }
        %ne3A_243 = arith.cmpi ne, %add3A_185, %add3A_194 : i32
        %or3A_244 = arith.constant false
        %or3A_245 = arith.ori %or3A_244, %ne3A_243 : i1
        %or3A_246 = arith.constant false
        %or3A_247 = arith.ori %or3A_245, %or3A_246 : i1
        %or3A_248 = arith.ori %or3A_247, %eq3A_182 : i1
        %convert_element_type3A_249 = arith.extui %or3A_248 : i1 to i32
        %cond3A_250 = arith.constant 0 : i32
        %cond3A_251 = arith.cmpi ne, %convert_element_type3A_249, %cond3A_250 : i32
        scf.if %cond3A_251 {
        } else {
        }
        %rem3A_252 = arith.constant 2 : i32
        %rem3A_253 = arith.remui %scan3A_177, %rem3A_252 : i32
        %rem3A_254 = arith.constant 2 : i32
        %rem3A_255 = arith.remui %scan3A_178, %rem3A_254 : i32
        %parallel_loop3A = arith.constant 0 : i32
        %parallel_loop3A_256 = arith.constant 64 : i32
        %parallel_loop3A_257 = arith.constant 1 : i32
        scf.for %parallel_loop3A_329 = %parallel_loop3A to %parallel_loop3A_256 step %parallel_loop3A_257  : i32 {
          %parallel_loop3A_330 = vector.broadcast %parallel_loop3A_329 : i32 to vector<16xi32>
          %parallel_loop3A_331 = arith.constant 0 : i32
          %parallel_loop3A_332 = arith.constant 0 : i32
          %parallel_loop3A_333 = tpu.memref_slice %run_scoped3A[%rem3A_253, %parallel_loop3A_331, %parallel_loop3A_332] : memref<2x64x200xi32, #tpu.memory_space<vmem>> -> memref<1x64x200xi32, #tpu.memory_space<vmem>>
          %parallel_loop3A_334 = tpu.memref_squeeze %parallel_loop3A_333 : memref<1x64x200xi32, #tpu.memory_space<vmem>> -> memref<64x200xi32, #tpu.memory_space<vmem>>
          %parallel_loop3A_335 = tpu.vector_load_idx %parallel_loop3A_334[%parallel_loop3A_330, %max3A_3] : memref<64x200xi32, #tpu.memory_space<vmem>>[vector<16xi32>, vector<16xi32>], vector<16xi32>,
          %parallel_loop3A_336 = tpu.vector_load_idx %arg5[%parallel_loop3A_335] : memref<128xf32, #tpu.memory_space<vmem>>[vector<16xi32>], vector<16xf32>,
          %parallel_loop3A_337 = arith.constant 6.000000e+01 : f32
          %parallel_loop3A_338 = vector.broadcast %parallel_loop3A_337 : f32 to vector<16xf32>
          %parallel_loop3A_339 = arith.select %eq3A_51, %parallel_loop3A_338, %parallel_loop3A_336 : vector<16xi1>, vector<16xf32>
          %parallel_loop3A_340 = arith.constant 0 : i32
          %parallel_loop3A_341 = arith.constant 0 : i32
          %parallel_loop3A_342 = tpu.memref_slice %run_scoped3A_61[%rem3A_255, %parallel_loop3A_340, %parallel_loop3A_341] : memref<2x64x202xf32, #tpu.memory_space<vmem>> -> memref<1x64x202xf32, #tpu.memory_space<vmem>>
          %parallel_loop3A_343 = tpu.memref_squeeze %parallel_loop3A_342 : memref<1x64x202xf32, #tpu.memory_space<vmem>> -> memref<64x202xf32, #tpu.memory_space<vmem>>
          %parallel_loop3A_344 = arith.index_cast %parallel_loop3A_329 : i32 to index
          %parallel_loop3A_345 = arith.constant 0 : index
          %parallel_loop3A_346 = tpu.vector_load %parallel_loop3A_343[%parallel_loop3A_344, %parallel_loop3A_345] {strides = array<i32>} : memref<64x202xf32, #tpu.memory_space<vmem>>, vector<16xf32>,
          tpu.vector_store %parallel_loop3A_343[%parallel_loop3A_344, %parallel_loop3A_345], %parallel_loop3A_339 {strides = array<i32>} : memref<64x202xf32, #tpu.memory_space<vmem>>, vector<16xf32>,
          %parallel_loop3A_347 = arith.constant 0 : i32
          %parallel_loop3A_348 = arith.constant 0 : i32
          %parallel_loop3A_349 = tpu.memref_slice %run_scoped3A[%rem3A_253, %parallel_loop3A_347, %parallel_loop3A_348] : memref<2x64x200xi32, #tpu.memory_space<vmem>> -> memref<1x64x200xi32, #tpu.memory_space<vmem>>
          %parallel_loop3A_350 = tpu.memref_squeeze %parallel_loop3A_349 : memref<1x64x200xi32, #tpu.memory_space<vmem>> -> memref<64x200xi32, #tpu.memory_space<vmem>>
          %parallel_loop3A_351 = tpu.vector_load_idx %parallel_loop3A_350[%parallel_loop3A_330, %add3A_6] : memref<64x200xi32, #tpu.memory_space<vmem>>[vector<16xi32>, vector<16xi32>], vector<16xi32>,
          %parallel_loop3A_352 = tpu.vector_load_idx %arg5[%parallel_loop3A_351] : memref<128xf32, #tpu.memory_space<vmem>>[vector<16xi32>], vector<16xf32>,
          %parallel_loop3A_353 = arith.constant 0 : i32
          %parallel_loop3A_354 = arith.constant 0 : i32
          %parallel_loop3A_355 = tpu.memref_slice %run_scoped3A_61[%rem3A_255, %parallel_loop3A_353, %parallel_loop3A_354] : memref<2x64x202xf32, #tpu.memory_space<vmem>> -> memref<1x64x202xf32, #tpu.memory_space<vmem>>
          %parallel_loop3A_356 = tpu.memref_squeeze %parallel_loop3A_355 : memref<1x64x202xf32, #tpu.memory_space<vmem>> -> memref<64x202xf32, #tpu.memory_space<vmem>>
          %parallel_loop3A_357 = arith.index_cast %parallel_loop3A_329 : i32 to index
          %parallel_loop3A_358 = arith.constant 16 : index
          %parallel_loop3A_359 = tpu.vector_load %parallel_loop3A_356[%parallel_loop3A_357, %parallel_loop3A_358] {strides = array<i32>} : memref<64x202xf32, #tpu.memory_space<vmem>>, vector<16xf32>,
          tpu.vector_store %parallel_loop3A_356[%parallel_loop3A_357, %parallel_loop3A_358], %parallel_loop3A_352 {strides = array<i32>} : memref<64x202xf32, #tpu.memory_space<vmem>>, vector<16xf32>,
          %parallel_loop3A_360 = arith.constant 0 : i32
          %parallel_loop3A_361 = arith.constant 0 : i32
          %parallel_loop3A_362 = tpu.memref_slice %run_scoped3A[%rem3A_253, %parallel_loop3A_360, %parallel_loop3A_361] : memref<2x64x200xi32, #tpu.memory_space<vmem>> -> memref<1x64x200xi32, #tpu.memory_space<vmem>>
          %parallel_loop3A_363 = tpu.memref_squeeze %parallel_loop3A_362 : memref<1x64x200xi32, #tpu.memory_space<vmem>> -> memref<64x200xi32, #tpu.memory_space<vmem>>
          %parallel_loop3A_364 = tpu.vector_load_idx %parallel_loop3A_363[%parallel_loop3A_330, %add3A_9] : memref<64x200xi32, #tpu.memory_space<vmem>>[vector<16xi32>, vector<16xi32>], vector<16xi32>,
          %parallel_loop3A_365 = tpu.vector_load_idx %arg5[%parallel_loop3A_364] : memref<128xf32, #tpu.memory_space<vmem>>[vector<16xi32>], vector<16xf32>,
          %parallel_loop3A_366 = arith.constant 0 : i32
          %parallel_loop3A_367 = arith.constant 0 : i32
          %parallel_loop3A_368 = tpu.memref_slice %run_scoped3A_61[%rem3A_255, %parallel_loop3A_366, %parallel_loop3A_367] : memref<2x64x202xf32, #tpu.memory_space<vmem>> -> memref<1x64x202xf32, #tpu.memory_space<vmem>>
          %parallel_loop3A_369 = tpu.memref_squeeze %parallel_loop3A_368 : memref<1x64x202xf32, #tpu.memory_space<vmem>> -> memref<64x202xf32, #tpu.memory_space<vmem>>
          %parallel_loop3A_370 = arith.index_cast %parallel_loop3A_329 : i32 to index
          %parallel_loop3A_371 = arith.constant 32 : index
          %parallel_loop3A_372 = tpu.vector_load %parallel_loop3A_369[%parallel_loop3A_370, %parallel_loop3A_371] {strides = array<i32>} : memref<64x202xf32, #tpu.memory_space<vmem>>, vector<16xf32>,
          tpu.vector_store %parallel_loop3A_369[%parallel_loop3A_370, %parallel_loop3A_371], %parallel_loop3A_365 {strides = array<i32>} : memref<64x202xf32, #tpu.memory_space<vmem>>, vector<16xf32>,
          %parallel_loop3A_373 = arith.constant 0 : i32
          %parallel_loop3A_374 = arith.constant 0 : i32
          %parallel_loop3A_375 = tpu.memref_slice %run_scoped3A[%rem3A_253, %parallel_loop3A_373, %parallel_loop3A_374] : memref<2x64x200xi32, #tpu.memory_space<vmem>> -> memref<1x64x200xi32, #tpu.memory_space<vmem>>
          %parallel_loop3A_376 = tpu.memref_squeeze %parallel_loop3A_375 : memref<1x64x200xi32, #tpu.memory_space<vmem>> -> memref<64x200xi32, #tpu.memory_space<vmem>>
          %parallel_loop3A_377 = tpu.vector_load_idx %parallel_loop3A_376[%parallel_loop3A_330, %add3A_12] : memref<64x200xi32, #tpu.memory_space<vmem>>[vector<16xi32>, vector<16xi32>], vector<16xi32>,
          %parallel_loop3A_378 = tpu.vector_load_idx %arg5[%parallel_loop3A_377] : memref<128xf32, #tpu.memory_space<vmem>>[vector<16xi32>], vector<16xf32>,
          %parallel_loop3A_379 = arith.constant 0 : i32
          %parallel_loop3A_380 = arith.constant 0 : i32
          %parallel_loop3A_381 = tpu.memref_slice %run_scoped3A_61[%rem3A_255, %parallel_loop3A_379, %parallel_loop3A_380] : memref<2x64x202xf32, #tpu.memory_space<vmem>> -> memref<1x64x202xf32, #tpu.memory_space<vmem>>
          %parallel_loop3A_382 = tpu.memref_squeeze %parallel_loop3A_381 : memref<1x64x202xf32, #tpu.memory_space<vmem>> -> memref<64x202xf32, #tpu.memory_space<vmem>>
          %parallel_loop3A_383 = arith.index_cast %parallel_loop3A_329 : i32 to index
          %parallel_loop3A_384 = arith.constant 48 : index
          %parallel_loop3A_385 = tpu.vector_load %parallel_loop3A_382[%parallel_loop3A_383, %parallel_loop3A_384] {strides = array<i32>} : memref<64x202xf32, #tpu.memory_space<vmem>>, vector<16xf32>,
          tpu.vector_store %parallel_loop3A_382[%parallel_loop3A_383, %parallel_loop3A_384], %parallel_loop3A_378 {strides = array<i32>} : memref<64x202xf32, #tpu.memory_space<vmem>>, vector<16xf32>,
          %parallel_loop3A_386 = arith.constant 0 : i32
          %parallel_loop3A_387 = arith.constant 0 : i32
          %parallel_loop3A_388 = tpu.memref_slice %run_scoped3A[%rem3A_253, %parallel_loop3A_386, %parallel_loop3A_387] : memref<2x64x200xi32, #tpu.memory_space<vmem>> -> memref<1x64x200xi32, #tpu.memory_space<vmem>>
          %parallel_loop3A_389 = tpu.memref_squeeze %parallel_loop3A_388 : memref<1x64x200xi32, #tpu.memory_space<vmem>> -> memref<64x200xi32, #tpu.memory_space<vmem>>
          %parallel_loop3A_390 = tpu.vector_load_idx %parallel_loop3A_389[%parallel_loop3A_330, %add3A_15] : memref<64x200xi32, #tpu.memory_space<vmem>>[vector<16xi32>, vector<16xi32>], vector<16xi32>,
          %parallel_loop3A_391 = tpu.vector_load_idx %arg5[%parallel_loop3A_390] : memref<128xf32, #tpu.memory_space<vmem>>[vector<16xi32>], vector<16xf32>,
          %parallel_loop3A_392 = arith.constant 0 : i32
          %parallel_loop3A_393 = arith.constant 0 : i32
          %parallel_loop3A_394 = tpu.memref_slice %run_scoped3A_61[%rem3A_255, %parallel_loop3A_392, %parallel_loop3A_393] : memref<2x64x202xf32, #tpu.memory_space<vmem>> -> memref<1x64x202xf32, #tpu.memory_space<vmem>>
          %parallel_loop3A_395 = tpu.memref_squeeze %parallel_loop3A_394 : memref<1x64x202xf32, #tpu.memory_space<vmem>> -> memref<64x202xf32, #tpu.memory_space<vmem>>
          %parallel_loop3A_396 = arith.index_cast %parallel_loop3A_329 : i32 to index
          %parallel_loop3A_397 = arith.constant 64 : index
          %parallel_loop3A_398 = tpu.vector_load %parallel_loop3A_395[%parallel_loop3A_396, %parallel_loop3A_397] {strides = array<i32>} : memref<64x202xf32, #tpu.memory_space<vmem>>, vector<16xf32>,
          tpu.vector_store %parallel_loop3A_395[%parallel_loop3A_396, %parallel_loop3A_397], %parallel_loop3A_391 {strides = array<i32>} : memref<64x202xf32, #tpu.memory_space<vmem>>, vector<16xf32>,
          %parallel_loop3A_399 = arith.constant 0 : i32
          %parallel_loop3A_400 = arith.constant 0 : i32
          %parallel_loop3A_401 = tpu.memref_slice %run_scoped3A[%rem3A_253, %parallel_loop3A_399, %parallel_loop3A_400] : memref<2x64x200xi32, #tpu.memory_space<vmem>> -> memref<1x64x200xi32, #tpu.memory_space<vmem>>
          %parallel_loop3A_402 = tpu.memref_squeeze %parallel_loop3A_401 : memref<1x64x200xi32, #tpu.memory_space<vmem>> -> memref<64x200xi32, #tpu.memory_space<vmem>>
          %parallel_loop3A_403 = tpu.vector_load_idx %parallel_loop3A_402[%parallel_loop3A_330, %add3A_18] : memref<64x200xi32, #tpu.memory_space<vmem>>[vector<16xi32>, vector<16xi32>], vector<16xi32>,
          %parallel_loop3A_404 = tpu.vector_load_idx %arg5[%parallel_loop3A_403] : memref<128xf32, #tpu.memory_space<vmem>>[vector<16xi32>], vector<16xf32>,
          %parallel_loop3A_405 = arith.constant 0 : i32
          %parallel_loop3A_406 = arith.constant 0 : i32
          %parallel_loop3A_407 = tpu.memref_slice %run_scoped3A_61[%rem3A_255, %parallel_loop3A_405, %parallel_loop3A_406] : memref<2x64x202xf32, #tpu.memory_space<vmem>> -> memref<1x64x202xf32, #tpu.memory_space<vmem>>
          %parallel_loop3A_408 = tpu.memref_squeeze %parallel_loop3A_407 : memref<1x64x202xf32, #tpu.memory_space<vmem>> -> memref<64x202xf32, #tpu.memory_space<vmem>>
          %parallel_loop3A_409 = arith.index_cast %parallel_loop3A_329 : i32 to index
          %parallel_loop3A_410 = arith.constant 80 : index
          %parallel_loop3A_411 = tpu.vector_load %parallel_loop3A_408[%parallel_loop3A_409, %parallel_loop3A_410] {strides = array<i32>} : memref<64x202xf32, #tpu.memory_space<vmem>>, vector<16xf32>,
          tpu.vector_store %parallel_loop3A_408[%parallel_loop3A_409, %parallel_loop3A_410], %parallel_loop3A_404 {strides = array<i32>} : memref<64x202xf32, #tpu.memory_space<vmem>>, vector<16xf32>,
          %parallel_loop3A_412 = arith.constant 0 : i32
          %parallel_loop3A_413 = arith.constant 0 : i32
          %parallel_loop3A_414 = tpu.memref_slice %run_scoped3A[%rem3A_253, %parallel_loop3A_412, %parallel_loop3A_413] : memref<2x64x200xi32, #tpu.memory_space<vmem>> -> memref<1x64x200xi32, #tpu.memory_space<vmem>>
          %parallel_loop3A_415 = tpu.memref_squeeze %parallel_loop3A_414 : memref<1x64x200xi32, #tpu.memory_space<vmem>> -> memref<64x200xi32, #tpu.memory_space<vmem>>
          %parallel_loop3A_416 = tpu.vector_load_idx %parallel_loop3A_415[%parallel_loop3A_330, %add3A_21] : memref<64x200xi32, #tpu.memory_space<vmem>>[vector<16xi32>, vector<16xi32>], vector<16xi32>,
          %parallel_loop3A_417 = tpu.vector_load_idx %arg5[%parallel_loop3A_416] : memref<128xf32, #tpu.memory_space<vmem>>[vector<16xi32>], vector<16xf32>,
          %parallel_loop3A_418 = arith.constant 0 : i32
          %parallel_loop3A_419 = arith.constant 0 : i32
          %parallel_loop3A_420 = tpu.memref_slice %run_scoped3A_61[%rem3A_255, %parallel_loop3A_418, %parallel_loop3A_419] : memref<2x64x202xf32, #tpu.memory_space<vmem>> -> memref<1x64x202xf32, #tpu.memory_space<vmem>>
          %parallel_loop3A_421 = tpu.memref_squeeze %parallel_loop3A_420 : memref<1x64x202xf32, #tpu.memory_space<vmem>> -> memref<64x202xf32, #tpu.memory_space<vmem>>
          %parallel_loop3A_422 = arith.index_cast %parallel_loop3A_329 : i32 to index
          %parallel_loop3A_423 = arith.constant 96 : index
          %parallel_loop3A_424 = tpu.vector_load %parallel_loop3A_421[%parallel_loop3A_422, %parallel_loop3A_423] {strides = array<i32>} : memref<64x202xf32, #tpu.memory_space<vmem>>, vector<16xf32>,
          tpu.vector_store %parallel_loop3A_421[%parallel_loop3A_422, %parallel_loop3A_423], %parallel_loop3A_417 {strides = array<i32>} : memref<64x202xf32, #tpu.memory_space<vmem>>, vector<16xf32>,
          %parallel_loop3A_425 = arith.constant 0 : i32
          %parallel_loop3A_426 = arith.constant 0 : i32
          %parallel_loop3A_427 = tpu.memref_slice %run_scoped3A[%rem3A_253, %parallel_loop3A_425, %parallel_loop3A_426] : memref<2x64x200xi32, #tpu.memory_space<vmem>> -> memref<1x64x200xi32, #tpu.memory_space<vmem>>
          %parallel_loop3A_428 = tpu.memref_squeeze %parallel_loop3A_427 : memref<1x64x200xi32, #tpu.memory_space<vmem>> -> memref<64x200xi32, #tpu.memory_space<vmem>>
          %parallel_loop3A_429 = tpu.vector_load_idx %parallel_loop3A_428[%parallel_loop3A_330, %add3A_24] : memref<64x200xi32, #tpu.memory_space<vmem>>[vector<16xi32>, vector<16xi32>], vector<16xi32>,
          %parallel_loop3A_430 = tpu.vector_load_idx %arg5[%parallel_loop3A_429] : memref<128xf32, #tpu.memory_space<vmem>>[vector<16xi32>], vector<16xf32>,
          %parallel_loop3A_431 = arith.constant 0 : i32
          %parallel_loop3A_432 = arith.constant 0 : i32
          %parallel_loop3A_433 = tpu.memref_slice %run_scoped3A_61[%rem3A_255, %parallel_loop3A_431, %parallel_loop3A_432] : memref<2x64x202xf32, #tpu.memory_space<vmem>> -> memref<1x64x202xf32, #tpu.memory_space<vmem>>
          %parallel_loop3A_434 = tpu.memref_squeeze %parallel_loop3A_433 : memref<1x64x202xf32, #tpu.memory_space<vmem>> -> memref<64x202xf32, #tpu.memory_space<vmem>>
          %parallel_loop3A_435 = arith.index_cast %parallel_loop3A_329 : i32 to index
          %parallel_loop3A_436 = arith.constant 112 : index
          %parallel_loop3A_437 = tpu.vector_load %parallel_loop3A_434[%parallel_loop3A_435, %parallel_loop3A_436] {strides = array<i32>} : memref<64x202xf32, #tpu.memory_space<vmem>>, vector<16xf32>,
          tpu.vector_store %parallel_loop3A_434[%parallel_loop3A_435, %parallel_loop3A_436], %parallel_loop3A_430 {strides = array<i32>} : memref<64x202xf32, #tpu.memory_space<vmem>>, vector<16xf32>,
          %parallel_loop3A_438 = arith.constant 0 : i32
          %parallel_loop3A_439 = arith.constant 0 : i32
          %parallel_loop3A_440 = tpu.memref_slice %run_scoped3A[%rem3A_253, %parallel_loop3A_438, %parallel_loop3A_439] : memref<2x64x200xi32, #tpu.memory_space<vmem>> -> memref<1x64x200xi32, #tpu.memory_space<vmem>>
          %parallel_loop3A_441 = tpu.memref_squeeze %parallel_loop3A_440 : memref<1x64x200xi32, #tpu.memory_space<vmem>> -> memref<64x200xi32, #tpu.memory_space<vmem>>
          %parallel_loop3A_442 = tpu.vector_load_idx %parallel_loop3A_441[%parallel_loop3A_330, %add3A_27] : memref<64x200xi32, #tpu.memory_space<vmem>>[vector<16xi32>, vector<16xi32>], vector<16xi32>,
          %parallel_loop3A_443 = tpu.vector_load_idx %arg5[%parallel_loop3A_442] : memref<128xf32, #tpu.memory_space<vmem>>[vector<16xi32>], vector<16xf32>,
          %parallel_loop3A_444 = arith.constant 0 : i32
          %parallel_loop3A_445 = arith.constant 0 : i32
          %parallel_loop3A_446 = tpu.memref_slice %run_scoped3A_61[%rem3A_255, %parallel_loop3A_444, %parallel_loop3A_445] : memref<2x64x202xf32, #tpu.memory_space<vmem>> -> memref<1x64x202xf32, #tpu.memory_space<vmem>>
          %parallel_loop3A_447 = tpu.memref_squeeze %parallel_loop3A_446 : memref<1x64x202xf32, #tpu.memory_space<vmem>> -> memref<64x202xf32, #tpu.memory_space<vmem>>
          %parallel_loop3A_448 = arith.index_cast %parallel_loop3A_329 : i32 to index
          %parallel_loop3A_449 = arith.constant 128 : index
          %parallel_loop3A_450 = tpu.vector_load %parallel_loop3A_447[%parallel_loop3A_448, %parallel_loop3A_449] {strides = array<i32>} : memref<64x202xf32, #tpu.memory_space<vmem>>, vector<16xf32>,
          tpu.vector_store %parallel_loop3A_447[%parallel_loop3A_448, %parallel_loop3A_449], %parallel_loop3A_443 {strides = array<i32>} : memref<64x202xf32, #tpu.memory_space<vmem>>, vector<16xf32>,
          %parallel_loop3A_451 = arith.constant 0 : i32
          %parallel_loop3A_452 = arith.constant 0 : i32
          %parallel_loop3A_453 = tpu.memref_slice %run_scoped3A[%rem3A_253, %parallel_loop3A_451, %parallel_loop3A_452] : memref<2x64x200xi32, #tpu.memory_space<vmem>> -> memref<1x64x200xi32, #tpu.memory_space<vmem>>
          %parallel_loop3A_454 = tpu.memref_squeeze %parallel_loop3A_453 : memref<1x64x200xi32, #tpu.memory_space<vmem>> -> memref<64x200xi32, #tpu.memory_space<vmem>>
          %parallel_loop3A_455 = tpu.vector_load_idx %parallel_loop3A_454[%parallel_loop3A_330, %add3A_30] : memref<64x200xi32, #tpu.memory_space<vmem>>[vector<16xi32>, vector<16xi32>], vector<16xi32>,
          %parallel_loop3A_456 = tpu.vector_load_idx %arg5[%parallel_loop3A_455] : memref<128xf32, #tpu.memory_space<vmem>>[vector<16xi32>], vector<16xf32>,
          %parallel_loop3A_457 = arith.constant 0 : i32
          %parallel_loop3A_458 = arith.constant 0 : i32
          %parallel_loop3A_459 = tpu.memref_slice %run_scoped3A_61[%rem3A_255, %parallel_loop3A_457, %parallel_loop3A_458] : memref<2x64x202xf32, #tpu.memory_space<vmem>> -> memref<1x64x202xf32, #tpu.memory_space<vmem>>
          %parallel_loop3A_460 = tpu.memref_squeeze %parallel_loop3A_459 : memref<1x64x202xf32, #tpu.memory_space<vmem>> -> memref<64x202xf32, #tpu.memory_space<vmem>>
          %parallel_loop3A_461 = arith.index_cast %parallel_loop3A_329 : i32 to index
          %parallel_loop3A_462 = arith.constant 144 : index
          %parallel_loop3A_463 = tpu.vector_load %parallel_loop3A_460[%parallel_loop3A_461, %parallel_loop3A_462] {strides = array<i32>} : memref<64x202xf32, #tpu.memory_space<vmem>>, vector<16xf32>,
          tpu.vector_store %parallel_loop3A_460[%parallel_loop3A_461, %parallel_loop3A_462], %parallel_loop3A_456 {strides = array<i32>} : memref<64x202xf32, #tpu.memory_space<vmem>>, vector<16xf32>,
          %parallel_loop3A_464 = arith.constant 0 : i32
          %parallel_loop3A_465 = arith.constant 0 : i32
          %parallel_loop3A_466 = tpu.memref_slice %run_scoped3A[%rem3A_253, %parallel_loop3A_464, %parallel_loop3A_465] : memref<2x64x200xi32, #tpu.memory_space<vmem>> -> memref<1x64x200xi32, #tpu.memory_space<vmem>>
          %parallel_loop3A_467 = tpu.memref_squeeze %parallel_loop3A_466 : memref<1x64x200xi32, #tpu.memory_space<vmem>> -> memref<64x200xi32, #tpu.memory_space<vmem>>
          %parallel_loop3A_468 = tpu.vector_load_idx %parallel_loop3A_467[%parallel_loop3A_330, %add3A_33] : memref<64x200xi32, #tpu.memory_space<vmem>>[vector<16xi32>, vector<16xi32>], vector<16xi32>,
          %parallel_loop3A_469 = tpu.vector_load_idx %arg5[%parallel_loop3A_468] : memref<128xf32, #tpu.memory_space<vmem>>[vector<16xi32>], vector<16xf32>,
          %parallel_loop3A_470 = arith.constant 0 : i32
          %parallel_loop3A_471 = arith.constant 0 : i32
          %parallel_loop3A_472 = tpu.memref_slice %run_scoped3A_61[%rem3A_255, %parallel_loop3A_470, %parallel_loop3A_471] : memref<2x64x202xf32, #tpu.memory_space<vmem>> -> memref<1x64x202xf32, #tpu.memory_space<vmem>>
          %parallel_loop3A_473 = tpu.memref_squeeze %parallel_loop3A_472 : memref<1x64x202xf32, #tpu.memory_space<vmem>> -> memref<64x202xf32, #tpu.memory_space<vmem>>
          %parallel_loop3A_474 = arith.index_cast %parallel_loop3A_329 : i32 to index
          %parallel_loop3A_475 = arith.constant 160 : index
          %parallel_loop3A_476 = tpu.vector_load %parallel_loop3A_473[%parallel_loop3A_474, %parallel_loop3A_475] {strides = array<i32>} : memref<64x202xf32, #tpu.memory_space<vmem>>, vector<16xf32>,
          tpu.vector_store %parallel_loop3A_473[%parallel_loop3A_474, %parallel_loop3A_475], %parallel_loop3A_469 {strides = array<i32>} : memref<64x202xf32, #tpu.memory_space<vmem>>, vector<16xf32>,
          %parallel_loop3A_477 = arith.constant 0 : i32
          %parallel_loop3A_478 = arith.constant 0 : i32
          %parallel_loop3A_479 = tpu.memref_slice %run_scoped3A[%rem3A_253, %parallel_loop3A_477, %parallel_loop3A_478] : memref<2x64x200xi32, #tpu.memory_space<vmem>> -> memref<1x64x200xi32, #tpu.memory_space<vmem>>
          %parallel_loop3A_480 = tpu.memref_squeeze %parallel_loop3A_479 : memref<1x64x200xi32, #tpu.memory_space<vmem>> -> memref<64x200xi32, #tpu.memory_space<vmem>>
          %parallel_loop3A_481 = tpu.vector_load_idx %parallel_loop3A_480[%parallel_loop3A_330, %add3A_36] : memref<64x200xi32, #tpu.memory_space<vmem>>[vector<16xi32>, vector<16xi32>], vector<16xi32>,
          %parallel_loop3A_482 = tpu.vector_load_idx %arg5[%parallel_loop3A_481] : memref<128xf32, #tpu.memory_space<vmem>>[vector<16xi32>], vector<16xf32>,
          %parallel_loop3A_483 = arith.constant 0 : i32
          %parallel_loop3A_484 = arith.constant 0 : i32
          %parallel_loop3A_485 = tpu.memref_slice %run_scoped3A_61[%rem3A_255, %parallel_loop3A_483, %parallel_loop3A_484] : memref<2x64x202xf32, #tpu.memory_space<vmem>> -> memref<1x64x202xf32, #tpu.memory_space<vmem>>
          %parallel_loop3A_486 = tpu.memref_squeeze %parallel_loop3A_485 : memref<1x64x202xf32, #tpu.memory_space<vmem>> -> memref<64x202xf32, #tpu.memory_space<vmem>>
          %parallel_loop3A_487 = arith.index_cast %parallel_loop3A_329 : i32 to index
          %parallel_loop3A_488 = arith.constant 176 : index
          %parallel_loop3A_489 = tpu.vector_load %parallel_loop3A_486[%parallel_loop3A_487, %parallel_loop3A_488] {strides = array<i32>} : memref<64x202xf32, #tpu.memory_space<vmem>>, vector<16xf32>,
          tpu.vector_store %parallel_loop3A_486[%parallel_loop3A_487, %parallel_loop3A_488], %parallel_loop3A_482 {strides = array<i32>} : memref<64x202xf32, #tpu.memory_space<vmem>>, vector<16xf32>,
          %parallel_loop3A_490 = arith.constant 0 : i32
          %parallel_loop3A_491 = arith.constant 0 : i32
          %parallel_loop3A_492 = tpu.memref_slice %run_scoped3A[%rem3A_253, %parallel_loop3A_490, %parallel_loop3A_491] : memref<2x64x200xi32, #tpu.memory_space<vmem>> -> memref<1x64x200xi32, #tpu.memory_space<vmem>>
          %parallel_loop3A_493 = tpu.memref_squeeze %parallel_loop3A_492 : memref<1x64x200xi32, #tpu.memory_space<vmem>> -> memref<64x200xi32, #tpu.memory_space<vmem>>
          %parallel_loop3A_494 = tpu.vector_load_idx %parallel_loop3A_493[%parallel_loop3A_330, %min3A_41] : memref<64x200xi32, #tpu.memory_space<vmem>>[vector<16xi32>, vector<16xi32>], vector<16xi32>,
          %parallel_loop3A_495 = tpu.vector_load_idx %arg5[%parallel_loop3A_494] : memref<128xf32, #tpu.memory_space<vmem>>[vector<16xi32>], vector<16xf32>,
          %parallel_loop3A_496 = arith.constant 201 : i32
          %parallel_loop3A_497 = vector.broadcast %parallel_loop3A_496 : i32 to vector<16xi32>
          %parallel_loop3A_498 = arith.cmpi eq, %add3A_44, %parallel_loop3A_497 : vector<16xi32>
          %parallel_loop3A_499 = arith.constant 6.100000e+01 : f32
          %parallel_loop3A_500 = vector.broadcast %parallel_loop3A_499 : f32 to vector<16xf32>
          %parallel_loop3A_501 = arith.select %parallel_loop3A_498, %parallel_loop3A_500, %parallel_loop3A_495 : vector<16xi1>, vector<16xf32>
          %parallel_loop3A_502 = arith.constant 0 : i32
          %parallel_loop3A_503 = arith.constant 0 : i32
          %parallel_loop3A_504 = tpu.memref_slice %run_scoped3A_61[%rem3A_255, %parallel_loop3A_502, %parallel_loop3A_503] : memref<2x64x202xf32, #tpu.memory_space<vmem>> -> memref<1x64x202xf32, #tpu.memory_space<vmem>>
          %parallel_loop3A_505 = tpu.memref_squeeze %parallel_loop3A_504 : memref<1x64x202xf32, #tpu.memory_space<vmem>> -> memref<64x202xf32, #tpu.memory_space<vmem>>
          tpu.vector_store_idx %parallel_loop3A_505[%parallel_loop3A_330, %min3A_47], %parallel_loop3A_501 masked %le3A_49 : memref<64x202xf32, #tpu.memory_space<vmem>>[vector<16xi32>, vector<16xi32>], vector<16xf32>, vector<16xi1>
        } {sc.loop_unroll_factor = 4 : i64, sc.parallel_access}
        %ne3A_258 = arith.cmpi ne, %add3A_185, %add3A_203 : i32
        %or3A_259 = arith.constant false
        %or3A_260 = arith.ori %or3A_259, %ne3A_258 : i1
        %or3A_261 = arith.constant false
        %or3A_262 = arith.ori %or3A_260, %or3A_261 : i1
        %or3A_263 = arith.ori %or3A_262, %eq3A_184 : i1
        %convert_element_type3A_264 = arith.extui %or3A_263 : i1 to i32
        %cond3A_265 = arith.constant 0 : i32
        %cond3A_266 = arith.cmpi ne, %convert_element_type3A_264, %cond3A_265 : i32
        scf.if %cond3A_266 {
        } else {
        }
        %and3A_267 = arith.constant false
        %and3A_268 = arith.andi %or3A_263, %and3A_267 : i1
        %ne3A_269 = arith.cmpi ne, %add3A_185, %add3A_203 : i32
        %or3A_270 = arith.constant false
        %or3A_271 = arith.ori %or3A_270, %ne3A_269 : i1
        %or3A_272 = arith.constant false
        %or3A_273 = arith.ori %or3A_271, %or3A_272 : i1
        %or3A_274 = arith.ori %or3A_273, %eq3A_184 : i1
        %convert_element_type3A_275 = arith.extui %or3A_274 : i1 to i32
        %cond3A_276 = arith.constant 0 : i32
        %cond3A_277 = arith.cmpi ne, %convert_element_type3A_275, %cond3A_276 : i32
        scf.if %cond3A_277 {
          %rem3A_329 = arith.constant 2 : i32
          %rem3A_330 = arith.remui %scan3A_178, %rem3A_329 : i32
          %mul3A_331 = arith.constant 64 : i32
          %mul3A_332 = arith.muli %mul3A_331, %add3A_185 : i32
          %dma_start3A_333 = arith.constant 0 : i32
          %dma_start3A_334 = arith.constant 0 : i32
          %dma_start3A_335 = tpu.memref_slice %run_scoped3A_61[%rem3A_330, %dma_start3A_333, %dma_start3A_334] : memref<2x64x202xf32, #tpu.memory_space<vmem>> -> memref<1x64x202xf32, #tpu.memory_space<vmem>>
          %dma_start3A_336 = tpu.memref_squeeze %dma_start3A_335 : memref<1x64x202xf32, #tpu.memory_space<vmem>> -> memref<64x202xf32, #tpu.memory_space<vmem>>
          %dma_start3A_337 = arith.constant 0 : i32
          %dma_start3A_338 = tpu.memref_slice %arg4[%mul3A_332, %dma_start3A_337] : memref<16384x202xf32, #tpu.memory_space<hbm>> -> memref<64x202xf32, #tpu.memory_space<hbm>>
          %dma_start3A_339 = tpu.memref_slice %run_scoped3A_62[%rem3A_330] : memref<2x!tpu.dma_semaphore, #tpu.memory_space<semaphore_mem>> -> memref<1x!tpu.dma_semaphore, #tpu.memory_space<semaphore_mem>>
          %dma_start3A_340 = tpu.memref_squeeze %dma_start3A_339 : memref<1x!tpu.dma_semaphore, #tpu.memory_space<semaphore_mem>> -> memref<!tpu.dma_semaphore, #tpu.memory_space<semaphore_mem>>
          %dma_start3A_341 = arith.constant 0 : i32
          %dma_start3A_342 = tpu.memref_slice %arg4[%mul3A_332, %dma_start3A_341] : memref<16384x202xf32, #tpu.memory_space<hbm>> -> memref<64x202xf32, #tpu.memory_space<hbm>>
          %dma_start3A_343 = arith.constant 0 : i32
          %dma_start3A_344 = arith.constant 0 : i32
          %dma_start3A_345 = tpu.memref_slice %run_scoped3A_61[%rem3A_330, %dma_start3A_343, %dma_start3A_344] : memref<2x64x202xf32, #tpu.memory_space<vmem>> -> memref<1x64x202xf32, #tpu.memory_space<vmem>>
          %dma_start3A_346 = tpu.memref_squeeze %dma_start3A_345 : memref<1x64x202xf32, #tpu.memory_space<vmem>> -> memref<64x202xf32, #tpu.memory_space<vmem>>
          tpu.enqueue_dma source(%dma_start3A_346 : memref<64x202xf32, #tpu.memory_space<vmem>>) target(%dma_start3A_342 : memref<64x202xf32, #tpu.memory_space<hbm>>) target_semaphore(%dma_start3A_340 : memref<!tpu.dma_semaphore, #tpu.memory_space<semaphore_mem>>)
        } else {
        }
        %and3A_278 = arith.constant true
        %and3A_279 = arith.andi %or3A_274, %and3A_278 : i1
        %add3A_280 = arith.constant 1 : i32
        %add3A_281 = arith.addi %scan3A_178, %add3A_280 : i32
        %select_n3A_282 = arith.select %and3A_279, %add3A_281, %scan3A_178 : i32
        %ne3A_283 = arith.cmpi ne, %add3A_185, %add3A_194 : i32
        %or3A_284 = arith.constant false
        %or3A_285 = arith.ori %or3A_284, %ne3A_283 : i1
        %or3A_286 = arith.constant false
        %or3A_287 = arith.ori %or3A_285, %or3A_286 : i1
        %not3A_288 = arith.constant true
        %not3A_289 = arith.xori %eq3A_182, %not3A_288 : i1
        %and3A_290 = arith.andi %or3A_287, %not3A_289 : i1
        %convert_element_type3A_291 = arith.extui %and3A_290 : i1 to i32
        %cond3A_292 = arith.constant 0 : i32
        %cond3A_293 = arith.cmpi ne, %convert_element_type3A_291, %cond3A_292 : i32
        scf.if %cond3A_293 {
        } else {
        }
        %and3A_294 = arith.constant false
        %and3A_295 = arith.andi %and3A_290, %and3A_294 : i1
        %ne3A_296 = arith.cmpi ne, %add3A_185, %add3A_194 : i32
        %or3A_297 = arith.constant false
        %or3A_298 = arith.ori %or3A_297, %ne3A_296 : i1
        %or3A_299 = arith.constant false
        %or3A_300 = arith.ori %or3A_298, %or3A_299 : i1
        %not3A_301 = arith.constant true
        %not3A_302 = arith.xori %eq3A_182, %not3A_301 : i1
        %and3A_303 = arith.andi %or3A_300, %not3A_302 : i1
        %convert_element_type3A_304 = arith.extui %and3A_303 : i1 to i32
        %cond3A_305 = arith.constant 0 : i32
        %cond3A_306 = arith.cmpi ne, %convert_element_type3A_304, %cond3A_305 : i32
        scf.if %cond3A_306 {
          %rem3A_329 = arith.constant 2 : i32
          %rem3A_330 = arith.remui %scan3A_179, %rem3A_329 : i32
          %mul3A_331 = arith.constant 64 : i32
          %mul3A_332 = arith.muli %mul3A_331, %add3A_194 : i32
          %dma_wait3A_333 = arith.constant 0 : i32
          %dma_wait3A_334 = arith.constant 0 : i32
          %dma_wait3A_335 = tpu.memref_slice %run_scoped3A_61[%rem3A_330, %dma_wait3A_333, %dma_wait3A_334] : memref<2x64x202xf32, #tpu.memory_space<vmem>> -> memref<1x64x202xf32, #tpu.memory_space<vmem>>
          %dma_wait3A_336 = tpu.memref_squeeze %dma_wait3A_335 : memref<1x64x202xf32, #tpu.memory_space<vmem>> -> memref<64x202xf32, #tpu.memory_space<vmem>>
          %dma_wait3A_337 = arith.constant 0 : i32
          %dma_wait3A_338 = tpu.memref_slice %arg4[%mul3A_332, %dma_wait3A_337] : memref<16384x202xf32, #tpu.memory_space<hbm>> -> memref<64x202xf32, #tpu.memory_space<hbm>>
          %dma_wait3A_339 = tpu.memref_slice %run_scoped3A_62[%rem3A_330] : memref<2x!tpu.dma_semaphore, #tpu.memory_space<semaphore_mem>> -> memref<1x!tpu.dma_semaphore, #tpu.memory_space<semaphore_mem>>
          %dma_wait3A_340 = tpu.memref_squeeze %dma_wait3A_339 : memref<1x!tpu.dma_semaphore, #tpu.memory_space<semaphore_mem>> -> memref<!tpu.dma_semaphore, #tpu.memory_space<semaphore_mem>>
          %dma_wait3A_341 = arith.constant 0 : i32
          %dma_wait3A_342 = tpu.memref_slice %arg4[%mul3A_332, %dma_wait3A_341] : memref<16384x202xf32, #tpu.memory_space<hbm>> -> memref<64x202xf32, #tpu.memory_space<hbm>>
          %dma_wait3A_343 = arith.constant 0 : i32
          %dma_wait3A_344 = arith.constant 0 : i32
          %dma_wait3A_345 = tpu.memref_slice %run_scoped3A_61[%rem3A_330, %dma_wait3A_343, %dma_wait3A_344] : memref<2x64x202xf32, #tpu.memory_space<vmem>> -> memref<1x64x202xf32, #tpu.memory_space<vmem>>
          %dma_wait3A_346 = tpu.memref_squeeze %dma_wait3A_345 : memref<1x64x202xf32, #tpu.memory_space<vmem>> -> memref<64x202xf32, #tpu.memory_space<vmem>>
          tpu.wait_dma2 semaphore(%dma_wait3A_340 : memref<!tpu.dma_semaphore, #tpu.memory_space<semaphore_mem>>) src(%dma_wait3A_346 : memref<64x202xf32, #tpu.memory_space<vmem>>) dst(%dma_wait3A_342 : memref<64x202xf32, #tpu.memory_space<hbm>>)
        } else {
        }
        %and3A_307 = arith.constant true
        %and3A_308 = arith.andi %and3A_303, %and3A_307 : i1
        %add3A_309 = arith.constant 1 : i32
        %add3A_310 = arith.addi %scan3A_179, %add3A_309 : i32
        %select_n3A_311 = arith.select %and3A_308, %add3A_310, %scan3A_179 : i32
        %ne3A_312 = arith.cmpi ne, %add3A_185, %add3A_203 : i32
        %or3A_313 = arith.constant false
        %or3A_314 = arith.ori %or3A_313, %ne3A_312 : i1
        %or3A_315 = arith.constant false
        %or3A_316 = arith.ori %or3A_314, %or3A_315 : i1
        %or3A_317 = arith.ori %or3A_316, %eq3A_184 : i1
        %add3A_318 = arith.constant 1 : i32
        %add3A_319 = arith.addi %scan3A_177, %add3A_318 : i32
        %select_n3A_320 = arith.select %or3A_317, %add3A_319, %scan3A_177 : i32
        %add3A_321 = arith.constant 1 : i32
        %add3A_322 = arith.addi %scan3A_180, %add3A_321 : i32
        %select_n3A_323 = arith.constant true
        %select_n3A_324 = arith.select %select_n3A_323, %add3A_322, %scan3A_180 : i32
        %eq3A_325 = arith.constant 8 : i32
        %eq3A_326 = arith.cmpi eq, %select_n3A_324, %eq3A_325 : i32
        %select_n3A_327 = arith.constant 0 : i32
        %select_n3A_328 = arith.select %eq3A_326, %select_n3A_327, %select_n3A_324 : i32
        scf.yield %select_n3A_223, %select_n3A_320, %select_n3A_282, %select_n3A_311, %select_n3A_328 : i32, i32, i32, i32, i32
      }
      %scan3A_122 = arith.constant 8 : i32
      %sub3A = arith.constant 1 : i32
      %sub3A_123 = arith.subi %scan3A_121#4, %sub3A : i32
      %select_n3A_124 = arith.constant true
      %select_n3A_125 = arith.select %select_n3A_124, %sub3A_123, %scan3A_121#4 : i32
      %eq3A_126 = arith.constant -1 : i32
      %eq3A_127 = arith.cmpi eq, %select_n3A_125, %eq3A_126 : i32
      %select_n3A_128 = arith.constant 7 : i32
      %select_n3A_129 = arith.select %eq3A_127, %select_n3A_128, %select_n3A_125 : i32
      %add3A_130 = arith.addi %select_n3A_129, %mul3A_59 : i32
      %sub3A_131 = arith.constant 1 : i32
      %sub3A_132 = arith.subi %select_n3A_129, %sub3A_131 : i32
      %select_n3A_133 = arith.constant true
      %select_n3A_134 = arith.select %select_n3A_133, %sub3A_132, %select_n3A_129 : i32
      %eq3A_135 = arith.constant -1 : i32
      %eq3A_136 = arith.cmpi eq, %select_n3A_134, %eq3A_135 : i32
      %select_n3A_137 = arith.constant 7 : i32
      %select_n3A_138 = arith.select %eq3A_136, %select_n3A_137, %select_n3A_134 : i32
      %add3A_139 = arith.addi %select_n3A_138, %mul3A_59 : i32
      %add3A_140 = arith.constant 1 : i32
      %add3A_141 = arith.addi %select_n3A_129, %add3A_140 : i32
      %select_n3A_142 = arith.constant true
      %select_n3A_143 = arith.select %select_n3A_142, %add3A_141, %select_n3A_129 : i32
      %eq3A_144 = arith.constant 8 : i32
      %eq3A_145 = arith.cmpi eq, %select_n3A_143, %eq3A_144 : i32
      %select_n3A_146 = arith.constant 0 : i32
      %select_n3A_147 = arith.select %eq3A_145, %select_n3A_146, %select_n3A_143 : i32
      %add3A_148 = arith.addi %select_n3A_147, %mul3A_59 : i32
      %add3A_149 = arith.constant 1 : i32
      %add3A_150 = arith.addi %select_n3A_147, %add3A_149 : i32
      %select_n3A_151 = arith.constant true
      %select_n3A_152 = arith.select %select_n3A_151, %add3A_150, %select_n3A_147 : i32
      %eq3A_153 = arith.constant 8 : i32
      %eq3A_154 = arith.cmpi eq, %select_n3A_152, %eq3A_153 : i32
      %select_n3A_155 = arith.constant 0 : i32
      %select_n3A_156 = arith.select %eq3A_154, %select_n3A_155, %select_n3A_152 : i32
      %add3A_157 = arith.addi %select_n3A_156, %mul3A_59 : i32
      %rem3A_158 = arith.constant 2 : i32
      %rem3A_159 = arith.remui %scan3A_121#3, %rem3A_158 : i32
      %mul3A_160 = arith.constant 64 : i32
      %mul3A_161 = arith.muli %mul3A_160, %add3A_130 : i32
      %dma_wait3A = arith.constant 0 : i32
      %dma_wait3A_162 = arith.constant 0 : i32
      %dma_wait3A_163 = tpu.memref_slice %run_scoped3A_61[%rem3A_159, %dma_wait3A, %dma_wait3A_162] : memref<2x64x202xf32, #tpu.memory_space<vmem>> -> memref<1x64x202xf32, #tpu.memory_space<vmem>>
      %dma_wait3A_164 = tpu.memref_squeeze %dma_wait3A_163 : memref<1x64x202xf32, #tpu.memory_space<vmem>> -> memref<64x202xf32, #tpu.memory_space<vmem>>
      %dma_wait3A_165 = arith.constant 0 : i32
      %dma_wait3A_166 = tpu.memref_slice %arg4[%mul3A_161, %dma_wait3A_165] : memref<16384x202xf32, #tpu.memory_space<hbm>> -> memref<64x202xf32, #tpu.memory_space<hbm>>
      %dma_wait3A_167 = tpu.memref_slice %run_scoped3A_62[%rem3A_159] : memref<2x!tpu.dma_semaphore, #tpu.memory_space<semaphore_mem>> -> memref<1x!tpu.dma_semaphore, #tpu.memory_space<semaphore_mem>>
      %dma_wait3A_168 = tpu.memref_squeeze %dma_wait3A_167 : memref<1x!tpu.dma_semaphore, #tpu.memory_space<semaphore_mem>> -> memref<!tpu.dma_semaphore, #tpu.memory_space<semaphore_mem>>
      %dma_wait3A_169 = arith.constant 0 : i32
      %dma_wait3A_170 = tpu.memref_slice %arg4[%mul3A_161, %dma_wait3A_169] : memref<16384x202xf32, #tpu.memory_space<hbm>> -> memref<64x202xf32, #tpu.memory_space<hbm>>
      %dma_wait3A_171 = arith.constant 0 : i32
      %dma_wait3A_172 = arith.constant 0 : i32
      %dma_wait3A_173 = tpu.memref_slice %run_scoped3A_61[%rem3A_159, %dma_wait3A_171, %dma_wait3A_172] : memref<2x64x202xf32, #tpu.memory_space<vmem>> -> memref<1x64x202xf32, #tpu.memory_space<vmem>>
      %dma_wait3A_174 = tpu.memref_squeeze %dma_wait3A_173 : memref<1x64x202xf32, #tpu.memory_space<vmem>> -> memref<64x202xf32, #tpu.memory_space<vmem>>
      tpu.wait_dma2 semaphore(%dma_wait3A_168 : memref<!tpu.dma_semaphore, #tpu.memory_space<semaphore_mem>>) src(%dma_wait3A_174 : memref<64x202xf32, #tpu.memory_space<vmem>>) dst(%dma_wait3A_170 : memref<64x202xf32, #tpu.memory_space<hbm>>)
      tpu.yield
    }) : () -> ()
    return
  }
}

</mosaic_0001>

<sc_bundles>
// kernel: kernel.3.cloned.1.call-start
scs
__scs_entry_jumppad:
0x0: {  	(pc) =	sbr.rel $0x88, $3  }
0x1: {  	(tag) =	ssettag $0x0;
	lr =	simm.s32 $0x1  }
0x2: {  	[smem:$0x3F9F] =	sst lr;
	_ =	strace $0xD0000000  }
0x3: {  	_ = 	snop  }
0x4: {  	_ = 	snop  }
0x5: {  	_ = 	snop  }
0x6: {  	_ = 	snop  }
0x7: {  	_ = 	snop  }
__scs_overlays_trampoline_lowered:
0x8: {  	[smem:$0x3FAE] =	sst s0  }
0x9: {  	[smem:$0x3FAF] =	sst s1  }
0xa: {  	[smem:$0x3FB0] =	sst s2  }
0xb: {  	[smem:$0x3FB1] =	sst s3  }
0xc: {  	[smem:$0x3FB2] =	sst s4  }
0xd: {  	[smem:$0x3FB3] =	sst s5  }
0xe: {  	[smem:$0x3FB4] =	sst s6  }
0xf: {  	[smem:$0x3FB5] =	sst s7  }
0x10: {  	[smem:$0x3FB6] =	sst s8  }
0x11: {  	[smem:$0x3FB7] =	sst s9;
	s0 =	simm.s32 @!p0 $0x0  }
0x12: {  	s1 =	sld [smem:$0x3F9D];
	s0 =	simm.s32 @p0 $0x1  }
0x13: {  	[smem:$0x3FB8] =	sst s0;
	s0 =	simm.s32 @!p1 $0x0  }
0x14: {  	s2 =	sld [smem:$0x3F9C];
	s0 =	simm.s32 @p1 $0x1  }
0x15: {  	[smem:$0x3FB9] =	sst s0;
	s0 =	simm.s32 @!p2 $0x0  }
0x16: {  	s3 =	sld [smem:$0x3FDB];
	s0 =	simm.s32 @p2 $0x1  }
0x17: {  	s4 =	simm.s32 $0x1BF5;
	[smem:$0x3FBB] =	sst s0  }
0x18: {  	s0 =	sld [smem:$0x3F9E];
	_ =	swait.ge [sflag:s4], $0x0  }
0x19: {  	s7 =	sld [smem:$0x3F9F]  }
0x1a: {  	s8 =	sadd.s32 $0xFFFFE003, lr  }
0x1b: {  	s9 =	sadd.s32 $0xFFFFFEF7, lr;
	s5 =	simm.s32 $0xFFFFFFFF;
	p2 =	slt.u32 s8, $0xFFFFF086  }
0x1c: {  	p1 =	slt.u32 s9, $0xF7A;
	s5 =	simm.s32 @!p2 $0x0  }
0x1d: {  	s5 =	simm.s32 @p1 $0x1;
	p0 =	seq.s32 s7, s2  }
0x1e: {  	s7 =	smul.u32 @!p0 $0xF7A, s2;
	p2 =	seq.s32 @!p0 s5, $0x0  }
0x1f: {  	s9 =	smul.u32 $0xF7A, s1;
	s8 =	simm.s32 @!p0 $0x1BF5;
	p2 =	por !p2, p0  }
0x20: {  	[sflag:s8] =	ssyncset.s32 @!p0 $0xFFFFF086;
	s6 =	sadd.s32 @!p0 s3, s7;
	s7 =	simm.s32 @!p0 $0x108  }
0x21: {  	s3 =	sadd.s32 s3, s9;
	s6 =	sadd.s32 @!p0 $0x88, s6;
	s7 =	simm.s32 @p2 $0x1082  }
0x22: {  	[simem:s7], [sflag:s8] =	dma.local @!p0 [hbm:s6], $0xF7A  }
0x23: {  	s9 =	sor.u32 $0xD0000000, s2;
	s6 =	simm.s32 $0x108;
	_ =	swait.ge @!p0 [sflag:s8], $0x0  }
0x24: {  	s3 =	sadd.s32 $0x88, s3;
	s6 =	simm.s32 @!p1 $0x1082;
	[sflag:s4] =	ssyncset.s32 $0xFFFFF086  }
0x25: {  	[simem:s6], [sflag:s4] =	dma.local [hbm:s3], $0xF7A  }
0x26: {  	[smem:$0x3F9F] =	sst s1;
	(tag) =	ssettag s2;
	_ =	strace s9  }
0x27: {  	s1 =	sld [smem:$0x3FAF]  }
0x28: {  	s2 =	sld [smem:$0x3FB0]  }
0x29: {  	s4 =	sld [smem:$0x3FB2]  }
0x2a: {  	p0 =	seq.s32 s5, $0x0;
	s5 =	sld [smem:$0x3FB3]  }
0x2b: {  	s6 =	sld [smem:$0x3FB4]  }
0x2c: {  	s7 =	sld [smem:$0x3FB5]  }
0x2d: {  	s3 =	simm.s32 $0x108;
	s8 =	sld [smem:$0x3FB6]  }
0x2e: {  	s3 =	simm.s32 @!p0 $0x1082;
	s9 =	sld [smem:$0x3FB7]  }
0x2f: {  	lr =	sadd.s32 s0, s3;
	s0 =	sld [smem:$0x3FAE]  }
0x30: {  	s3 =	sld [smem:$0x3FB1]  }
0x31: {  	[smem:$0x3FBA] =	sst s10  }
0x32: {  	s10 =	sld [smem:$0x3FB8];
	_ =	sdelay $0x3  }
0x33: {  	p0 =	seq.s32 s10, $0x1;
	s10 =	sld [smem:$0x3FBA];
	_ =	sdelay $0x3  }
0x34: {  	[smem:$0x3FBA] =	sst s10  }
0x35: {  	s10 =	sld [smem:$0x3FB9];
	_ =	sdelay $0x3  }
0x36: {  	p1 =	seq.s32 s10, $0x1;
	s10 =	sld [smem:$0x3FBA];
	_ =	sdelay $0x3  }
0x37: {  	[smem:$0x3FBA] =	sst s10  }
0x38: {  	s10 =	sld [smem:$0x3FBB]  }
0x39: {  	_ = 	snop;
	(pc) =	sbr.ind lr, $3  }
0x3a: {  	_ = 	snop  }
0x3b: {  	_ = 	snop  }
0x3c: {  	p2 =	seq.s32 s10, $0x1;
	s10 =	sld [smem:$0x3FBA]  }
0x3d: {  	_ =	shalt  }
0x3e: {  	_ =	shalt  }
0x3f: {  	_ =	shalt  }
0x40: {  	_ =	shalt  }
0x41: {  	_ =	shalt  }
0x42: {  	_ =	shalt  }
0x43: {  	_ =	shalt  }
0x44: {  	_ =	shalt  }
0x45: {  	_ =	shalt  }
0x46: {  	_ =	shalt  }
0x47: {  	_ =	shalt  }
0x48: {  	_ =	shalt  }
0x49: {  	_ =	shalt  }
0x4a: {  	_ =	shalt  }
0x4b: {  	_ =	shalt  }
0x4c: {  	_ =	shalt  }
0x4d: {  	_ =	shalt  }
0x4e: {  	_ =	shalt  }
0x4f: {  	_ =	shalt  }
0x50: {  	_ =	shalt  }
0x51: {  	_ =	shalt  }
0x52: {  	_ =	shalt  }
0x53: {  	_ =	shalt  }
0x54: {  	_ =	shalt  }
0x55: {  	_ =	shalt  }
0x56: {  	_ =	shalt  }
0x57: {  	_ =	shalt  }
0x58: {  	_ =	shalt  }
0x59: {  	_ =	shalt  }
0x5a: {  	_ =	shalt  }
0x5b: {  	_ =	shalt  }
0x5c: {  	_ =	shalt  }
0x5d: {  	_ =	shalt  }
0x5e: {  	_ =	shalt  }
0x5f: {  	_ =	shalt  }
0x60: {  	_ =	shalt  }
0x61: {  	_ =	shalt  }
0x62: {  	_ =	shalt  }
0x63: {  	_ =	shalt  }
0x64: {  	_ =	shalt  }
0x65: {  	_ =	shalt  }
0x66: {  	_ =	shalt  }
0x67: {  	_ =	shalt  }
0x68: {  	_ =	shalt  }
0x69: {  	_ =	shalt  }
0x6a: {  	_ =	shalt  }
0x6b: {  	_ =	shalt  }
0x6c: {  	_ =	shalt  }
0x6d: {  	_ =	shalt  }
0x6e: {  	_ =	shalt  }
0x6f: {  	_ =	shalt  }
0x70: {  	_ =	shalt  }
0x71: {  	_ =	shalt  }
0x72: {  	_ =	shalt  }
0x73: {  	_ =	shalt  }
0x74: {  	_ =	shalt  }
0x75: {  	_ =	shalt  }
0x76: {  	_ =	shalt  }
0x77: {  	_ =	shalt  }
0x78: {  	_ =	shalt  }
0x79: {  	_ =	shalt  }
0x7a: {  	_ =	shalt  }
0x7b: {  	_ =	shalt  }
0x7c: {  	_ =	shalt  }
0x7d: {  	_ =	shalt  }
0x7e: {  	_ =	shalt  }
0x7f: {  	_ =	shalt  }
0x80: {  	_ =	shalt  }
0x81: {  	_ =	shalt  }
0x82: {  	_ =	shalt  }
0x83: {  	_ =	shalt  }
0x84: {  	_ =	shalt  }
0x85: {  	_ =	shalt  }
0x86: {  	_ =	shalt  }
0x87: {  	_ =	shalt  }
.Lfunc_end0:
.L_simem_size_0:
called_computation_lowered:
.L_overlay_start_0:
0x88: {  	s2 =	sld [smem:$0x3FD9]  }
0x89: {  	s3 =	sld [smem:$0x3FFE];
	_ =	sdelay $0x1  }
0x8a: {  	s1 =	srdreg.scid  }
0x8b: {  	s0 =	sand.u32 $0x1, s1  }
0x8c: {  	s17 =	sshll.u32 s0, $0xA;
	s2 =	sadd.s32 s3, s2  }
0x8d: {  	s2 =	sadd.s32 s2, s17  }
0x8e: {  	[smem:$0x3FC6] =	sst s2  }
0x8f: {  	_ = 	snop  }
0x90: {  	s2 =	sld [smem:$0x3FC8];
	(tm) =	ssettm $0x1  }
0x91: {  	s18 =	sld [smem:$0x3FFB];
	_ =	sdelay $0x3  }
0x92: {  	_ =	strace s18  }
0x93: {  	s3 =	sld [smem:$0x3FFC];
	_ =	sdelay $0x3  }
0x94: {  	_ =	strace s3  }
0x95: {  	s3 =	sld [smem:$0x3FFD];
	_ =	sdelay $0x3  }
0x96: {  	_ =	strace s3  }
0x97: {  	_ =	strace $0x8FFFFFFF  }
0x98: {  	s19 =	sld [smem:$0x3FDB];
	_ =	sdelay $0x1  }
0x99: {  	s4 =	simm.s32 $_scs_section_size  }
0x9a: {  	s5 =	simm.s32 $_size__tile_overlayer_lowered;
	s6 =	simm.s32 $_tile_overlayer_lowered  }
0x9b: {  	s22 =	simm.s32 $0x1BFF;
	s21 =	sshll.u32 s6, $0x1;
	s3 =	sadd.s32 s4, s19  }
0x9c: {  	s7 =	simm.s32 $0x0;
	s20 =	sshll.u32 s5, $0x1;
	s5 =	sadd.s32 s21, s3  }
0x9d: {  	[timem:s7], [sflag:s22] =	dma.local [hbm:s5], s20  }
0x9e: {  	_ =	swait.ge [sflag:s22], s20  }
0x9f: {  	s4 =	ssub.s32 $0x0, s20;
	[sflag:s22] =	ssyncset.done $0x0  }
0xa0: {  	[sflag:s22] =	ssyncadd.s32 s4;
	_ =	sdelay $0x1  }
0xa1: {  	s23 =	simm.s32 $0x1B8B  }
0xa2: {  	_ =	swait.ge [sflag:s23], $0x1  }
0xa3: {  	[sflag:s23] =	ssyncset.done $0x0  }
0xa4: {  	s25 =	simm.s32 $0x1B8E;
	s24 =	sld [smem:$0x3FFE];
	[sflag:s23] =	ssyncadd.s32 $0xFFFFFFFF  }
0xa5: {  	s26 =	simm.s32 $execute0_lowered;
	[smem:$0x3FD2] =	sst s25  }
0xa6: {  	s5 =	sshll.u32 s26, $0x1;
	_ =	strace $0x80000046;
	[dreg:$0x1] =	wrdreg $0xFFFFFFFF  }
0xa7: {  	s28 =	simm.s32 $_size_execute0_lowered;
	s3 =	sadd.s32 s3, s5;
	[dreg:$0x0] =	wrdreg $0x0  }
0xa8: {  	s5 =	sshll.u32 s28, $0x1;
	[dreg:$0x2] =	wrdreg s3  }
0xa9: {  	[dreg:$0x3] =	wrdreg s5  }
0xaa: {  	[dreg:$0x4] =	wrdreg $0xC0  }
0xab: {  	_ =	task [dreg:s7], $0x5FFFF  }
0xac: {  	[dreg:$0x1] =	wrdreg $0xFFFFFFFF  }
0xad: {  	[dreg:$0x0] =	wrdreg $0x60  }
0xae: {  	[dreg:$0x2] =	wrdreg s24  }
0xaf: {  	[dreg:$0x3] =	wrdreg s2  }
0xb0: {  	[dreg:$0x4] =	wrdreg $0x9  }
0xb1: {  	_ =	task.clear_ibuf [dreg:s7], $0x5FFFF;
	_ =	strace $0x90000046  }
0xb2: {  	s29 =	simm.s32 $0x9;
	_ =	strace $0x80000048  }
0xb3: {  	_ =	swait.ge [sflag:s29], $0x1  }
0xb4: {  	[sflag:s29] =	ssyncadd.s32 $0xFFFFFFFF  }
0xb5: {  	_ =	strace $0x90000048  }
0xb6: {  	_ =	sfence  }
0xb7: {  	s30 =	sld [smem:$0x0];
	_ =	sdelay $0x2  }
0xb8: {  	s31 =	sshll.u32 s1, $0xD;
	s1 =	sshrl.u32 s1, $0x2  }
0xb9: {  	s3 =	sand.u32 $0x4000, s31;
	s1 =	sadd.s32 s1, s30  }
0xba: {  	s0 =	sor.u32 s3, s0;
	s1 =	sshll.u32 s1, $0x11  }
0xbb: {  	s0 =	sor.u32 s1, s0  }
0xbc: {  	s0 =	sadd.s32 $0x8F2B, s0  }
0xbd: {  	[sflag:s0] =	ssyncadd.remote.s32 $0x1  }
0xbe: {  	_ =	sfence.sel $0xFFFF  }
0xbf: {  	[dreg:$0x0] =	wrdreg $0xFFFFFFFF;
	(pc) =	sbr.abs _section_cstart, $3  }
0xc0: {  	[dreg:$0x1] =	wrdreg $0xFFFFFFFF  }
0xc1: {  	_ =	task.clear_ibuf [dreg:s7], $0x2FFFF;
	_ =	strace $0x9FFFFFFF  }
0xc2: {  	(tm) =	ssettm $0x7FFFFFFF  }
0xc3: {  	_ =	shalt  }
tec
execute0_lowered:
.L_overlay_start_1:
0x0: {  	(tag) =	ssettag $0x1  }
0x1: {  	v0 =	vimm.s32 $0x65432100;
	v1 =	vimm.s32 $0x40E;
	vm8 =	vcmask $0x300  }
0x2: {  	v2 =	vimm.s32 $0xEDCBA987;
	vm7 =	vcmask $0x704;
	vm6 =	vcmask $0xB08  }
0x3: {  	vm5 =	vcmask $0xF0C;
	vm4 =	vcmask $0x1310;
	vm3 =	vcmask $0x1714  }
0x4: {  	vm1 =	vcmask $0x1B18;
	vm0 =	vcmask $0x1F1C;
	vm2 =	vcmask $0x2320  }
0x5: {  	vm9 =	vcmask $0x2724;
	vm14 =	vcmask $0x2B28;
	vm15 =	vcmask $0x2F2C  }
0x6: {  	vm12 =	vcmask $0x3330;
	vm13 =	vcmask $0x3734;
	v11 =	vimm.s32 $0x4241403F  }
0x7: {  	v13 =	vimm.s32 $0x46454443;
	vm10 =	vcmask $0xF00;
	v14 =	vimm.s32 $0x449  }
0x8: {  	v15 =	vimm.s32 $0x43424140;
	v16 =	vimm.s32 $0x47464544;
	v1 =	vsel vm8, $0x7F, v1  }
0x9: {  	v2 =	vunpack.c.l.s4.s8 v2;
	v0 =	vunpack.c.l.s4.s8 v0;
	v1 =	vsel vm7, $0x400, v1  }
0xa: {  	v12 =	vunpack.c.0.s8.s32 v11;
	v13 =	vunpack.c.0.s8.s32 v13;
	v1 =	vsel vm6, $0x401, v1  }
0xb: {  	v14 =	vsel vm8, $0x440, v14;
	v2 =	vunpack.c.0.s8.s32 v2;
	v1 =	vsel vm5, $0x402, v1  }
0xc: {  	v15 =	vunpack.c.0.s8.s32 v15;
	v0 =	vunpack.c.0.s8.s32 v0;
	v1 =	vsel vm4, $0x403, v1  }
0xd: {  	v14 =	vsel vm7, $0x441, v14;
	v2 =	vand.u32 $0xF, v2;
	v1 =	vsel vm3, $0x404, v1  }
0xe: {  	v14 =	vsel vm6, $0x442, v14;
	v0 =	vcombine.low v0, v2;
	v2 =	vsel vm1, $0x405, v1  }
0xf: {  	v16 =	vunpack.c.0.s8.s32 v16;
	v14 =	vsel vm5, $0x443, v14;
	v3 =	vsel vm0, $0x406, v2  }
0x10: {  	v12 =	vnsel vm10, $0x47, v12;
	v14 =	vsel vm4, $0x444, v14;
	v4 =	vsel vm2, $0x407, v3  }
0x11: {  	v15 =	vnsel vm10, $0x49, v15;
	v14 =	vsel vm3, $0x445, v14;
	v5 =	vsel vm9, $0x408, v4  }
0x12: {  	v1 =	vlaneseq.u32;
	v14 =	vsel vm1, $0x446, v14;
	v6 =	vsel vm14, $0x409, v5  }
0x13: {  	v2 =	vadd.s32 $0xF, v1;
	v7 =	vsel vm15, $0x40A, v6;
	vm15 =	vcmask $0x1F10  }
0x14: {  	s0 =	rddreg [dreg:$0x0];
	s2 =	simm.s32 $0x0;
	s1 =	srdreg.scid;
	v10 =	vadd.s32 $0x40F, v1;
	v12 =	vsel vm15, v13, v12;
	v13 =	vimm.s32 $0x447  }
0x15: {  	s5 =	stileid.u32;
	[smem:$0x7FF] =	sst s2;
	s4 =	sadd.s32 $0x400, s0;
	v11 =	vadd.s32 $0x41F, v1;
	v17 =	vsel vm0, $0x447, v14;
	v13 =	vsel vm8, $0x43F, v13  }
0x16: {  	s1 =	sand.u32 $0x1, s1;
	s0 =	sadd.s32 $0x80400, s0;
	_ =	strace $0x80000047;
	v3 =	vadd.s32 $0x1F, v1;
	v4 =	vadd.s32 $0x2F, v1;
	v13 =	vsel vm7, $0x440, v13  }
0x17: {  	s3 =	ssub.s32 $0x2, s1;
	s1 =	sshll.u32 s1, $0x4;
	[dreg:$0xa] =	wrdreg s0;
	v5 =	vadd.s32 $0x3F, v1;
	vm14 =	vcmask $0x3B38;
	v13 =	vsel vm6, $0x441, v13  }
0x18: {  	[dreg:$0x9] =	wrdreg s4;
	s1 =	sor.u32 s5, s1;
	v6 =	vadd.s32 $0x4F, v1;
	v8 =	vsel vm12, $0x40B, v7;
	v13 =	vsel vm5, $0x442, v13  }
0x19: {  	s30 =	sshrl.u32 s3, $0x1;
	s31 =	sshll.u32 s1, $0x3;
	s1 =	sshll.u32 s1, $0xE;
	v7 =	vadd.s32 $0x5F, v1;
	v15 =	vsel vm15, v16, v15;
	v13 =	vsel vm4, $0x443, v13  }
0x1a: {  	s0 =	ssub.s32 s3, s30;
	[dreg:$0xb] =	wrdreg s31;
	s1 =	sadd.s32 s4, s1;
	v9 =	vsel vm13, $0x40C, v8;
	v8 =	vadd.s32 $0x6F, v1;
	v16 =	vsel vm3, $0x444, v13  }
0x1b: {  	s0 =	smax.u32 s0, $0x1;
	[dreg:$0xc] =	wrdreg s1;
	v14 =	vsel vm2, $0x48, v15;
	v9 =	vsel vm14, $0x40D, v9;
	v16 =	vsel vm1, $0x445, v16  }
0x1c: {  	s3 =	simm.s32 $0x0;
	[dreg:$0xd] =	wrdreg s0;
	v13 =	vadd.s32 $0x42F, v1;
	v15 =	vsel vm0, $0x446, v16;
	v16 =	vsel vm2, $0x448, v17  }
.LBB2_1:
0x1d: {  	[dreg:$0xe] =	wrdreg s3  }
0x1e: {  	s0 =	rddreg [dreg:$0x1]  }
0x1f: {  	s30 =	simm.s32 $0x1;
	s1 =	simm.s32 $0x80;
	s3 =	simm.s32 $0x0  }
0x20: {  	[tilespmem:s2], [sflag:$0x1] =	stream.linear.gather [hbm4b:s0+s2], $0x80, $0x38;
	[tilespmem:$0x10080] =	vst v63  }
0x21: {  	s7 =	simm.s32 $0x0;
	s8 =	simm.s32 $0x0;
	_ =	swait.ge [sflag:s30], $0x80  }
0x22: {  	s4 =	simm.s32 $0x1;
	s5 =	simm.s32 $0x0;
	[sflag:s30] =	ssyncset.done $0x0  }
0x23: {  	s0 =	simm.s32 $0x0;
	s31 =	rddreg [dreg:$0xc];
	[sflag:s30] =	ssyncadd.s32 $0xFFFFFF80  }
0x24: {  	[tilespmem:s1], [sflag:$0x1] =	stream.linear.gather [hbm4b:s31+s2], $0x4000, $0x38;
	[tilespmem:$0x10080] =	vst v63  }
.LBB2_2:
0x25: {  	[dreg:$0x10] =	wrdreg s3;
	s3 =	sadd.s32 $0x1, s0  }
0x26: {  	[dreg:$0x14] =	wrdreg s5;
	p0 =	seq.s32 s3, $0x8  }
0x27: {  	[dreg:$0x13] =	wrdreg s4;
	s3 =	simm.s32 @p0 $0x0  }
0x28: {  	p6 =	sne.s32 s5, $0x7;
	s12 =	rddreg [dreg:$0xb];
	p1 =	sne.s32 s0, s3  }
0x29: {  	s19 =	simm.s32 $0x1;
	s18 =	simm.s32 $0x2;
	p0 =	por !p6, !p1  }
0x2a: {  	s20 =	simm.s32 $0x3;
	s5 =	rddreg [dreg:$0x9];
	p0 =	por !p0, !p0  }
0x2b: {  	v17 =	vmov s19;
	v18 =	vmov s18;
	v19 =	vmov s20;
	[dreg:$0xf] =	wrdreg s3;
	s3 =	sadd.s32 @p0 s12, s3  }
0x2c: {  	s21 =	sand.u32 $0x1, s8;
	v20 =	vshll.u32 v17, $0x8;
	v21 =	vshll.u32 v19, $0x8;
	v19 =	vshll.u32 v19, $0x7;
	s1 =	sand.u32 @p0 $0x1, s4;
	s3 =	sshll.u32 @p0 s3, $0xB  }
0x2d: {  	v17 =	vshll.u32 v17, $0x7;
	v21 =	vand.u32 $0x3800, v21;
	v19 =	vand.u32 $0x380, v19;
	s6 =	sshll.u32 @p0 s1, $0xE;
	s1 =	sadd.s32 @p0 $0x1, s1;
	s3 =	sand.u32 @p0 $0x1FFFF800, s3  }
0x2e: {  	v20 =	vand.u32 $0x3800, v20;
	v17 =	vand.u32 $0x280, v17;
	v33 =	vor.u32 v19, v21;
	s4 =	sor.u32 @p0 $0x80, s6;
	s3 =	sadd.s32 @p0 s5, s3;
	s5 =	simm.s32 @p0 $0x0  }
0x2f: {  	v19 =	vshll.u32 v18, $0x8;
	v18 =	vshll.u32 v18, $0x7;
	v21 =	vor.u32 v0, v33;
	[tilespmem:s4], [sflag:s1] =	stream.linear.gather @p0 [hbm4b:s3+s5], $0x4000, $0x38;
	[tilespmem:$0x10080] =	vst v63  }
0x30: {  	s14 =	simm.s32 $0x0;
	v17 =	vor.u32 v17, v20;
	v19 =	vand.u32 $0x3800, v19;
	v18 =	vand.u32 $0x300, v18;
	s1 =	sadd.s32 $0x1, s21  }
0x31: {  	s22 =	sshll.u32 s8, $0xE;
	v20 =	vmov s14;
	v22 =	vor.u32 v0, v17;
	v18 =	vor.u32 v18, v19;
	_ =	swait.ge [sflag:s1], $0x4000  }
0x32: {  	v34 =	vshll.u32 v20, $0x8;
	v19 =	vshll.u32 v20, $0x7;
	v20 =	vor.u32 v0, v18;
	s3 =	sand.u32 $0x4000, s22;
	[sflag:s1] =	ssyncset.done $0x0  }
0x33: {  	v23 =	vand.u32 $0x3800, v34;
	v35 =	vand.u32 $0x200, v19;
	[dreg:$0x12] =	wrdreg s8;
	s21 =	sor.u32 $0x80, s3;
	[sflag:s1] =	ssyncadd.s32 $0xFFFFC000  }
0x34: {  	v24 =	vor.u32 v35, v23;
	v19 =	vld.idx.msk [tilespmem:v21+s21+$0x0], $0xffff  }
0x35: {  	v21 =	vor.u32 v0, v24  }
0x36: {  	v22 =	vld.idx.msk [tilespmem:v22+s21+$0x0], $0xffff  }
0x37: {  	v20 =	vld.idx.msk [tilespmem:v20+s21+$0x0], $0xffff;
	_ =	sdelay $0x2  }
0x38: {  	v21 =	vld.idx.msk [tilespmem:v21+s21+$0x0], $0xffff;
	_ =	sdelay $0x1  }
0x39: {  	s23 =	sand.u32 $0x1, s7;
	v19 =	vld.idx.msk [tilespmem:v19+s2+$0x0], $0xffff;
	[dreg:$0x11] =	wrdreg s7  }
0x3a: {  	[dreg:$0x15] =	wrdreg s23  }
0x3b: {  	v22 =	vld.idx.msk [tilespmem:v22+s2+$0x0], $0xffff  }
0x3c: {  	v23 =	vor.u32 v2, v33;
	s1 =	sshll.u32 s23, $0xE;
	v20 =	vld.idx.msk [tilespmem:v20+s2+$0x0], $0xffff  }
0x3d: {  	s24 =	simm.s32 $0x180;
	s25 =	sand.u32 $0x3800, s14;
	v25 =	vor.u32 v2, v17;
	s13 =	sor.u32 $0x8080, s1  }
0x3e: {  	vm0 =	veq.s32 v1, $0x0;
	s26 =	simm.s32 $0x80;
	v26 =	vor.u32 v2, v18;
	s1 =	sand.u32 $0x380, s24;
	s3 =	sadd.s32 s25, s13  }
0x3f: {  	s10 =	simm.s32 $0x100;
	s4 =	sand.u32 $0x280, s26;
	s30 =	sadd.s32 s1, s3;
	v19 =	vsel vm0, $0x42700000, v19;
	v21 =	vld.idx.msk [tilespmem:v21+s2+$0x0], $0xffff  }
0x40: {  	s1 =	sand.u32 $0x300, s10;
	s4 =	sadd.s32 s4, s3;
	[tilespmem:s30+$0x0] =	vst v19;
	v19 =	vsel vm0, $0x42700000, v22  }
0x41: {  	s5 =	sadd.s32 s1, s3;
	v20 =	vsel vm0, $0x42700000, v20;
	v22 =	vld.idx.msk [tilespmem:v23+s21+$0x0], $0xffff;
	[tilespmem:s4+$0x0] =	vst v19;
	v19 =	vor.u32 v2, v24  }
0x42: {  	s11 =	simm.s32 $0x0;
	[tilespmem:s5+$0x0] =	vst v20;
	v23 =	vld.idx.msk [tilespmem:v25+s21+$0x0], $0xffff  }
0x43: {  	s1 =	sand.u32 $0x200, s11;
	v20 =	vld.idx.msk [tilespmem:v26+s21+$0x0], $0xffff  }
0x44: {  	s3 =	sadd.s32 s1, s3;
	v21 =	vsel vm0, $0x42700000, v21  }
0x45: {  	[tilespmem:s3+$0x0] =	vst v21  }
0x46: {  	v19 =	vld.idx.msk [tilespmem:v19+s21+$0x0], $0xffff;
	_ =	sdelay $0x2  }
0x47: {  	v21 =	vld.idx.msk [tilespmem:v22+s2+$0x0], $0xffff  }
0x48: {  	v22 =	vor.u32 v3, v33;
	v23 =	vld.idx.msk [tilespmem:v23+s2+$0x0], $0xffff  }
0x49: {  	v25 =	vor.u32 v3, v17;
	v20 =	vld.idx.msk [tilespmem:v20+s2+$0x0], $0xffff  }
0x4a: {  	v26 =	vor.u32 v3, v18;
	_ =	sdelay $0x1  }
0x4b: {  	[tilespmem:s30+$0x10] =	vst v21;
	v19 =	vld.idx.msk [tilespmem:v19+s2+$0x0], $0xffff  }
0x4c: {  	v21 =	vld.idx.msk [tilespmem:v22+s21+$0x0], $0xffff;
	[tilespmem:s4+$0x10] =	vst v23;
	v22 =	vor.u32 v3, v24  }
0x4d: {  	[tilespmem:s5+$0x10] =	vst v20;
	v23 =	vld.idx.msk [tilespmem:v25+s21+$0x0], $0xffff  }
0x4e: {  	v20 =	vld.idx.msk [tilespmem:v26+s21+$0x0], $0xffff;
	_ =	sdelay $0x1  }
0x4f: {  	[tilespmem:s3+$0x10] =	vst v19  }
0x50: {  	v19 =	vld.idx.msk [tilespmem:v22+s21+$0x0], $0xffff;
	_ =	sdelay $0x2  }
0x51: {  	v21 =	vld.idx.msk [tilespmem:v21+s2+$0x0], $0xffff  }
0x52: {  	v22 =	vor.u32 v4, v33;
	v23 =	vld.idx.msk [tilespmem:v23+s2+$0x0], $0xffff  }
0x53: {  	v25 =	vor.u32 v4, v17;
	v20 =	vld.idx.msk [tilespmem:v20+s2+$0x0], $0xffff  }
0x54: {  	v26 =	vor.u32 v4, v18;
	_ =	sdelay $0x1  }
0x55: {  	[tilespmem:s30+$0x20] =	vst v21;
	v19 =	vld.idx.msk [tilespmem:v19+s2+$0x0], $0xffff  }
0x56: {  	v21 =	vld.idx.msk [tilespmem:v22+s21+$0x0], $0xffff;
	[tilespmem:s4+$0x20] =	vst v23;
	v22 =	vor.u32 v4, v24  }
0x57: {  	[tilespmem:s5+$0x20] =	vst v20;
	v23 =	vld.idx.msk [tilespmem:v25+s21+$0x0], $0xffff  }
0x58: {  	v20 =	vld.idx.msk [tilespmem:v26+s21+$0x0], $0xffff;
	_ =	sdelay $0x1  }
0x59: {  	[tilespmem:s3+$0x20] =	vst v19  }
0x5a: {  	v19 =	vld.idx.msk [tilespmem:v22+s21+$0x0], $0xffff;
	_ =	sdelay $0x2  }
0x5b: {  	v21 =	vld.idx.msk [tilespmem:v21+s2+$0x0], $0xffff  }
0x5c: {  	v22 =	vor.u32 v5, v33;
	v23 =	vld.idx.msk [tilespmem:v23+s2+$0x0], $0xffff  }
0x5d: {  	v25 =	vor.u32 v5, v17;
	v20 =	vld.idx.msk [tilespmem:v20+s2+$0x0], $0xffff  }
0x5e: {  	v26 =	vor.u32 v5, v18;
	_ =	sdelay $0x1  }
0x5f: {  	[tilespmem:s30+$0x30] =	vst v21;
	v19 =	vld.idx.msk [tilespmem:v19+s2+$0x0], $0xffff  }
0x60: {  	v21 =	vld.idx.msk [tilespmem:v22+s21+$0x0], $0xffff;
	[tilespmem:s4+$0x30] =	vst v23;
	v22 =	vor.u32 v5, v24  }
0x61: {  	[tilespmem:s5+$0x30] =	vst v20;
	v23 =	vld.idx.msk [tilespmem:v25+s21+$0x0], $0xffff  }
0x62: {  	v20 =	vld.idx.msk [tilespmem:v26+s21+$0x0], $0xffff;
	_ =	sdelay $0x1  }
0x63: {  	[tilespmem:s3+$0x30] =	vst v19  }
0x64: {  	v19 =	vld.idx.msk [tilespmem:v22+s21+$0x0], $0xffff;
	_ =	sdelay $0x2  }
0x65: {  	v21 =	vld.idx.msk [tilespmem:v21+s2+$0x0], $0xffff  }
0x66: {  	v22 =	vor.u32 v6, v33;
	v23 =	vld.idx.msk [tilespmem:v23+s2+$0x0], $0xffff  }
0x67: {  	v25 =	vor.u32 v6, v17;
	v20 =	vld.idx.msk [tilespmem:v20+s2+$0x0], $0xffff  }
0x68: {  	v26 =	vor.u32 v6, v18;
	_ =	sdelay $0x1  }
0x69: {  	[tilespmem:s30+$0x40] =	vst v21;
	v19 =	vld.idx.msk [tilespmem:v19+s2+$0x0], $0xffff  }
0x6a: {  	v21 =	vld.idx.msk [tilespmem:v22+s21+$0x0], $0xffff;
	[tilespmem:s4+$0x40] =	vst v23;
	v22 =	vor.u32 v6, v24  }
0x6b: {  	[tilespmem:s5+$0x40] =	vst v20;
	v23 =	vld.idx.msk [tilespmem:v25+s21+$0x0], $0xffff  }
0x6c: {  	v20 =	vld.idx.msk [tilespmem:v26+s21+$0x0], $0xffff;
	_ =	sdelay $0x1  }
0x6d: {  	[tilespmem:s3+$0x40] =	vst v19  }
0x6e: {  	v22 =	vld.idx.msk [tilespmem:v22+s21+$0x0], $0xffff  }
0x6f: {  	s16 =	simm.s32 $0x5  }
0x70: {  	s15 =	simm.s32 $0x4;
	s17 =	simm.s32 $0x6;
	v28 =	vmov s16  }
0x71: {  	v32 =	vmov s17;
	v30 =	vshll.u32 v28, $0x8;
	v19 =	vld.idx.msk [tilespmem:v21+s2+$0x0], $0xffff;
	v21 =	vmov s15  }
0x72: {  	v27 =	vor.u32 v7, v33;
	v25 =	vshll.u32 v21, $0x8;
	v21 =	vshll.u32 v21, $0x7;
	v23 =	vld.idx.msk [tilespmem:v23+s2+$0x0], $0xffff  }
0x73: {  	v20 =	vld.idx.msk [tilespmem:v20+s2+$0x0], $0xffff;
	v29 =	vand.u32 $0x3800, v25;
	v26 =	vand.u32 $0x200, v21;
	v21 =	vor.u32 v7, v17  }
0x74: {  	v28 =	vshll.u32 v28, $0x7;
	v31 =	vor.u32 v7, v18;
	v29 =	vor.u32 v26, v29  }
0x75: {  	v30 =	vand.u32 $0x3800, v30;
	v28 =	vand.u32 $0x280, v28;
	v36 =	vor.u32 v0, v29  }
0x76: {  	[tilespmem:s30+$0x50] =	vst v19;
	v19 =	vor.u32 v28, v30;
	v30 =	vshll.u32 v32, $0x8;
	v32 =	vshll.u32 v32, $0x7;
	v22 =	vld.idx.msk [tilespmem:v22+s2+$0x0], $0xffff  }
0x77: {  	v47 =	vor.u32 v7, v24;
	v27 =	vld.idx.msk [tilespmem:v27+s21+$0x0], $0xffff;
	[tilespmem:s4+$0x50] =	vst v23;
	v23 =	vand.u32 $0x3800, v30;
	v30 =	vand.u32 $0x300, v32  }
0x78: {  	s19 =	simm.s32 $0x7;
	v28 =	vor.u32 v0, v19;
	[tilespmem:s5+$0x50] =	vst v20;
	v37 =	vld.idx.msk [tilespmem:v21+s21+$0x0], $0xffff;
	v20 =	vor.u32 v30, v23  }
0x79: {  	v21 =	vmov s19;
	v23 =	vld.idx.msk [tilespmem:v31+s21+$0x0], $0xffff;
	v30 =	vor.u32 v0, v20  }
0x7a: {  	v31 =	vshll.u32 v21, $0x8;
	v21 =	vshll.u32 v21, $0x7  }
0x7b: {  	v36 =	vld.idx.msk [tilespmem:v36+s21+$0x0], $0xffff;
	v31 =	vand.u32 $0x3800, v31;
	v21 =	vand.u32 $0x380, v21;
	[tilespmem:s3+$0x50] =	vst v22  }
0x7c: {  	v21 =	vor.u32 v21, v31;
	v22 =	vld.idx.msk [tilespmem:v47+s21+$0x0], $0xffff  }
0x7d: {  	v38 =	vld.idx.msk [tilespmem:v28+s21+$0x0], $0xffff;
	v28 =	vor.u32 v0, v21  }
0x7e: {  	v31 =	vld.idx.msk [tilespmem:v30+s21+$0x0], $0xffff  }
0x7f: {  	v27 =	vld.idx.msk [tilespmem:v27+s2+$0x0], $0xffff  }
0x80: {  	v48 =	vld.idx.msk [tilespmem:v37+s2+$0x0], $0xffff  }
0x81: {  	v30 =	vor.u32 v8, v33;
	v23 =	vld.idx.msk [tilespmem:v23+s2+$0x0], $0xffff  }
0x82: {  	v39 =	vor.u32 v8, v17;
	v49 =	vld.idx.msk [tilespmem:v28+s21+$0x0], $0xffff  }
0x83: {  	s20 =	simm.s32 $0x8;
	v40 =	vld.idx.msk [tilespmem:v36+s2+$0x0], $0xffff  }
0x84: {  	v50 =	vor.u32 v8, v18;
	v45 =	vor.u32 v8, v24;
	v28 =	vmov s20;
	v22 =	vld.idx.msk [tilespmem:v22+s2+$0x0], $0xffff  }
0x85: {  	s22 =	simm.s32 $0x9;
	v47 =	vor.u32 v2, v19;
	[tilespmem:s30+$0x60] =	vst v27;
	v27 =	vshll.u32 v28, $0x8;
	v28 =	vshll.u32 v28, $0x7;
	v38 =	vld.idx.msk [tilespmem:v38+s2+$0x0], $0xffff  }
0x86: {  	v41 =	vld.idx.msk [tilespmem:v30+s21+$0x0], $0xffff;
	v30 =	vmov s22;
	v42 =	vand.u32 $0x3800, v27;
	v28 =	vand.u32 $0x200, v28;
	[tilespmem:s4+$0x60] =	vst v48  }
0x87: {  	s1 =	simm.s32 $0x400;
	v43 =	vshll.u32 v30, $0x8;
	v44 =	vshll.u32 v30, $0x7;
	v30 =	vor.u32 v28, v42;
	v39 =	vld.idx.msk [tilespmem:v39+s21+$0x0], $0xffff  }
0x88: {  	s10 =	simm.s32 $0x280;
	s24 =	sand.u32 $0x3800, s1;
	s23 =	simm.s32 $0xA;
	[tilespmem:s5+$0x60] =	vst v23;
	v46 =	vld.idx.msk [tilespmem:v31+s2+$0x0], $0xffff;
	v54 =	vor.u32 v0, v30  }
0x89: {  	s26 =	simm.s32 $0x300;
	s10 =	sand.u32 $0x280, s10;
	s7 =	sadd.s32 s24, s13;
	v53 =	vmov s23;
	v55 =	vld.idx.msk [tilespmem:v50+s21+$0x0], $0xffff;
	v51 =	vand.u32 $0x3800, v43;
	v52 =	vand.u32 $0x280, v44  }
0x8a: {  	s8 =	sand.u32 $0x300, s26;
	s26 =	sadd.s32 s10, s7;
	v48 =	vor.u32 v2, v20;
	v23 =	vor.u32 v52, v51;
	[tilespmem:s3+$0x60] =	vst v22;
	v37 =	vld.idx.msk [tilespmem:v49+s2+$0x0], $0xffff;
	v60 =	vsel vm0, $0x42700000, v38  }
0x8b: {  	v56 =	vshll.u32 v53, $0x8;
	v43 =	vshll.u32 v53, $0x7;
	v32 =	vor.u32 v0, v23;
	v57 =	vld.idx.msk [tilespmem:v45+s21+$0x0], $0xffff;
	[tilespmem:s26+$0x0] =	vst v60  }
0x8c: {  	v31 =	vand.u32 $0x300, v43;
	v22 =	vand.u32 $0x3800, v56;
	v51 =	vld.idx.msk [tilespmem:v47+s21+$0x0], $0xffff  }
0x8d: {  	s28 =	sadd.s32 s8, s7;
	v22 =	vor.u32 v31, v22;
	v62 =	vsel vm0, $0x42700000, v46;
	v36 =	vld.idx.msk [tilespmem:v54+s21+$0x0], $0xffff  }
0x8e: {  	v31 =	vor.u32 v0, v22;
	[tilespmem:s28+$0x0] =	vst v62;
	v41 =	vld.idx.msk [tilespmem:v41+s2+$0x0], $0xffff  }
0x8f: {  	v58 =	vor.u32 v2, v21;
	v53 =	vld.idx.msk [tilespmem:v48+s21+$0x0], $0xffff  }
0x90: {  	s9 =	simm.s32 $0x380;
	v32 =	vld.idx.msk [tilespmem:v32+s21+$0x0], $0xffff  }
0x91: {  	v59 =	vor.u32 v9, v33;
	s25 =	sand.u32 $0x380, s9;
	v39 =	vld.idx.msk [tilespmem:v39+s2+$0x0], $0xffff  }
0x92: {  	s29 =	sadd.s32 s25, s7;
	v37 =	vsel vm0, $0x42700000, v37;
	v42 =	vld.idx.msk [tilespmem:v55+s2+$0x0], $0xffff  }
0x93: {  	v63 =	vor.u32 v9, v17;
	[tilespmem:s29+$0x0] =	vst v37;
	v31 =	vld.idx.msk [tilespmem:v31+s21+$0x0], $0xffff  }
0x94: {  	v49 =	vor.u32 v2, v29;
	v61 =	vld.idx.msk [tilespmem:v58+s21+$0x0], $0xffff  }
0x95: {  	s11 =	simm.s32 $0x200;
	v52 =	vor.u32 v9, v18;
	[tilespmem:s30+$0x70] =	vst v41;
	v55 =	vld.idx.msk [tilespmem:v57+s2+$0x0], $0xffff  }
0x96: {  	s30 =	sand.u32 $0x200, s11;
	v50 =	vld.idx.msk [tilespmem:v59+s21+$0x0], $0xffff  }
0x97: {  	v40 =	vsel vm0, $0x42700000, v40;
	s25 =	sadd.s32 s30, s7;
	[tilespmem:s4+$0x70] =	vst v39;
	v58 =	vld.idx.msk [tilespmem:v51+s2+$0x0], $0xffff  }
0x98: {  	v56 =	vor.u32 v9, v24;
	[tilespmem:s25+$0x0] =	vst v40;
	v37 =	vld.idx.msk [tilespmem:v63+s21+$0x0], $0xffff  }
0x99: {  	v62 =	vor.u32 v3, v19;
	[tilespmem:s5+$0x70] =	vst v42;
	v54 =	vld.idx.msk [tilespmem:v49+s21+$0x0], $0xffff  }
0x9a: {  	v41 =	vld.idx.msk [tilespmem:v52+s21+$0x0], $0xffff  }
0x9b: {  	v40 =	vld.idx.msk [tilespmem:v53+s2+$0x0], $0xffff  }
0x9c: {  	[tilespmem:s3+$0x70] =	vst v55;
	v38 =	vld.idx.msk [tilespmem:v61+s2+$0x0], $0xffff  }
0x9d: {  	v63 =	vor.u32 v3, v20;
	v42 =	vld.idx.msk [tilespmem:v56+s21+$0x0], $0xffff;
	[tilespmem:s26+$0x10] =	vst v58  }
0x9e: {  	v44 =	vld.idx.msk [tilespmem:v62+s21+$0x0], $0xffff  }
0x9f: {  	s10 =	sand.u32 $0x7, s14;
	v24 =	vmov s13;
	v59 =	vor.u32 v3, v21;
	v57 =	vld.idx.msk [tilespmem:v50+s2+$0x0], $0xffff  }
0xa0: {  	s4 =	sshll.u32 s10, $0x7;
	v37 =	vld.idx.msk [tilespmem:v37+s2+$0x0], $0xffff  }
0xa1: {  	v60 =	vor.u32 v10, v33;
	s4 =	sadd.s32 $0x0, s4;
	[tilespmem:s28+$0x10] =	vst v40;
	v61 =	vld.idx.msk [tilespmem:v54+s2+$0x0], $0xffff  }
0xa2: {  	v52 =	vor.u32 v3, v29;
	s3 =	sadd.s32 $0x180, s4;
	v54 =	vld.idx.msk [tilespmem:v63+s21+$0x0], $0xffff  }
0xa3: {  	v53 =	vor.u32 v10, v17;
	s4 =	sadd.s32 $0x80, s4;
	s11 =	sor.u32 $0x400, s3;
	v41 =	vld.idx.msk [tilespmem:v41+s2+$0x0], $0xffff;
	[tilespmem:s29+$0x10] =	vst v38  }
0xa4: {  	s15 =	sor.u32 $0x400, s4;
	v38 =	vld.idx.msk [tilespmem:v59+s21+$0x0], $0xffff;
	[tilespmem:v24+s11+$0x0 ss:$0x1] =	vst.idx.msk $0xffff, v57  }
0xa5: {  	s17 =	sand.u32 $0x3, s14;
	v56 =	vld.idx.msk [tilespmem:v42+s2+$0x0], $0xffff;
	[tilespmem:v24+s15+$0x0 ss:$0x1] =	vst.idx.msk $0xffff, v37  }
0xa6: {  	p2 =	por $0x0, $0x0;
	s16 =	simm.s32 $0x0;
	s5 =	sshll.u32 s17, $0x8;
	v57 =	vor.u32 v10, v18;
	v43 =	vld.idx.msk [tilespmem:v60+s21+$0x0], $0xffff;
	[tilespmem:s25+$0x10] =	vst v61  }
0xa7: {  	s6 =	simm.s32 $0x1;
	v34 =	vor.u32 v35, v34;
	s5 =	sadd.s32 $0x0, s5;
	v55 =	vld.idx.msk [tilespmem:v52+s21+$0x0], $0xffff;
	[dreg:$0x4] =	wrdreg s16  }
0xa8: {  	s6 =	simm.s32 @!p2 $0x0;
	s5 =	sadd.s32 $0x100, s5;
	v58 =	vor.u32 v10, v34;
	v40 =	vld.idx.msk [tilespmem:v53+s21+$0x0], $0xffff  }
0xa9: {  	s6 =	sshll.u32 s6, $0x9;
	s19 =	sor.u32 $0x400, s5;
	v44 =	vld.idx.msk [tilespmem:v44+s2+$0x0], $0xffff  }
0xaa: {  	s6 =	sadd.s32 $0x0, s6;
	v62 =	vor.u32 v4, v19;
	[tilespmem:v24+s19+$0x0 ss:$0x1] =	vst.idx.msk $0xffff, v41;
	v39 =	vld.idx.msk [tilespmem:v54+s2+$0x0], $0xffff  }
0xab: {  	s20 =	sor.u32 $0x400, s6;
	v35 =	vld.idx.msk [tilespmem:v57+s21+$0x0], $0xffff  }
0xac: {  	v63 =	vor.u32 v4, v20;
	[tilespmem:v24+s20+$0x0 ss:$0x1] =	vst.idx.msk $0xffff, v56;
	v38 =	vld.idx.msk [tilespmem:v38+s2+$0x0], $0xffff  }
0xad: {  	v59 =	vor.u32 v4, v21;
	v53 =	vld.idx.msk [tilespmem:v58+s21+$0x0], $0xffff  }
0xae: {  	v43 =	vld.idx.msk [tilespmem:v43+s2+$0x0], $0xffff;
	[tilespmem:s26+$0x20] =	vst v44  }
0xaf: {  	v44 =	vld.idx.msk [tilespmem:v62+s21+$0x0], $0xffff  }
0xb0: {  	v60 =	vor.u32 v11, v33;
	[tilespmem:s28+$0x20] =	vst v39;
	v61 =	vld.idx.msk [tilespmem:v55+s2+$0x0], $0xffff  }
0xb1: {  	[tilespmem:s29+$0x20] =	vst v38;
	v37 =	vld.idx.msk [tilespmem:v63+s21+$0x0], $0xffff  }
0xb2: {  	v52 =	vor.u32 v4, v29;
	v54 =	vld.idx.msk [tilespmem:v59+s21+$0x0], $0xffff  }
0xb3: {  	s22 =	sor.u32 $0x410, s3;
	v40 =	vld.idx.msk [tilespmem:v40+s2+$0x0], $0xffff  }
0xb4: {  	v57 =	vor.u32 v11, v17;
	v35 =	vld.idx.msk [tilespmem:v35+s2+$0x0], $0xffff;
	[tilespmem:v24+s22+$0x0 ss:$0x1] =	vst.idx.msk $0xffff, v43  }
0xb5: {  	v43 =	vld.idx.msk [tilespmem:v60+s21+$0x0], $0xffff  }
0xb6: {  	v38 =	vld.idx.msk [tilespmem:v53+s2+$0x0], $0xffff;
	[tilespmem:s25+$0x20] =	vst v61  }
0xb7: {  	s23 =	sor.u32 $0x410, s4;
	v58 =	vor.u32 v11, v18;
	v55 =	vld.idx.msk [tilespmem:v52+s21+$0x0], $0xffff  }
0xb8: {  	[tilespmem:v24+s23+$0x0 ss:$0x1] =	vst.idx.msk $0xffff, v40;
	v44 =	vld.idx.msk [tilespmem:v44+s2+$0x0], $0xffff  }
0xb9: {  	v61 =	vor.u32 v5, v19;
	v42 =	vld.idx.msk [tilespmem:v57+s21+$0x0], $0xffff  }
0xba: {  	s24 =	sor.u32 $0x410, s5;
	v56 =	vld.idx.msk [tilespmem:v54+s2+$0x0], $0xffff  }
0xbb: {  	v59 =	vor.u32 v5, v21;
	[tilespmem:v24+s24+$0x0 ss:$0x1] =	vst.idx.msk $0xffff, v35;
	v37 =	vld.idx.msk [tilespmem:v37+s2+$0x0], $0xffff  }
0xbc: {  	v62 =	vor.u32 v5, v20;
	v52 =	vld.idx.msk [tilespmem:v58+s21+$0x0], $0xffff  }
0xbd: {  	v43 =	vld.idx.msk [tilespmem:v43+s2+$0x0], $0xffff;
	[tilespmem:s26+$0x30] =	vst v44  }
0xbe: {  	v60 =	vor.u32 v13, v33;
	v40 =	vld.idx.msk [tilespmem:v61+s21+$0x0], $0xffff  }
0xbf: {  	v54 =	vor.u32 v11, v34;
	v39 =	vld.idx.msk [tilespmem:v55+s2+$0x0], $0xffff;
	[tilespmem:s29+$0x30] =	vst v56  }
0xc0: {  	v63 =	vor.u32 v5, v29;
	[tilespmem:s28+$0x30] =	vst v37;
	v53 =	vld.idx.msk [tilespmem:v59+s21+$0x0], $0xffff  }
0xc1: {  	s30 =	sor.u32 $0x420, s3;
	v35 =	vld.idx.msk [tilespmem:v62+s21+$0x0], $0xffff  }
0xc2: {  	s8 =	sor.u32 $0x410, s6;
	v56 =	vld.idx.msk [tilespmem:v42+s2+$0x0], $0xffff;
	[tilespmem:v24+s30+$0x0 ss:$0x1] =	vst.idx.msk $0xffff, v43  }
0xc3: {  	[tilespmem:v24+s8+$0x0 ss:$0x1] =	vst.idx.msk $0xffff, v38;
	v43 =	vld.idx.msk [tilespmem:v60+s21+$0x0], $0xffff  }
0xc4: {  	v58 =	vor.u32 v13, v17;
	v38 =	vld.idx.msk [tilespmem:v54+s21+$0x0], $0xffff;
	[tilespmem:s25+$0x30] =	vst v39  }
0xc5: {  	v55 =	vld.idx.msk [tilespmem:v63+s21+$0x0], $0xffff  }
0xc6: {  	v41 =	vld.idx.msk [tilespmem:v52+s2+$0x0], $0xffff  }
0xc7: {  	s10 =	sor.u32 $0x420, s4;
	v40 =	vld.idx.msk [tilespmem:v40+s2+$0x0], $0xffff  }
0xc8: {  	[tilespmem:v24+s10+$0x0 ss:$0x1] =	vst.idx.msk $0xffff, v56;
	v57 =	vld.idx.msk [tilespmem:v53+s2+$0x0], $0xffff  }
0xc9: {  	v59 =	vor.u32 v6, v21;
	v49 =	vld.idx.msk [tilespmem:v58+s21+$0x0], $0xffff  }
0xca: {  	v61 =	vor.u32 v6, v19;
	v35 =	vld.idx.msk [tilespmem:v35+s2+$0x0], $0xffff  }
0xcb: {  	v62 =	vor.u32 v6, v20;
	v43 =	vld.idx.msk [tilespmem:v43+s2+$0x0], $0xffff  }
0xcc: {  	v60 =	vor.u32 v15, v33;
	v38 =	vld.idx.msk [tilespmem:v38+s2+$0x0], $0xffff  }
0xcd: {  	v51 =	vor.u32 v13, v18;
	v37 =	vld.idx.msk [tilespmem:v55+s2+$0x0], $0xffff;
	[tilespmem:s29+$0x40] =	vst v57  }
0xce: {  	v52 =	vor.u32 v13, v34;
	[tilespmem:s26+$0x40] =	vst v40;
	v50 =	vld.idx.msk [tilespmem:v59+s21+$0x0], $0xffff  }
0xcf: {  	s3 =	sor.u32 $0x430, s3;
	v63 =	vor.u32 v6, v29;
	v53 =	vld.idx.msk [tilespmem:v61+s21+$0x0], $0xffff;
	[tilespmem:s28+$0x40] =	vst v35  }
0xd0: {  	s11 =	sor.u32 $0x420, s5;
	v35 =	vld.idx.msk [tilespmem:v62+s21+$0x0], $0xffff;
	[tilespmem:v24+s3+$0x0 ss:$0x1] =	vst.idx.msk $0xffff, v43  }
0xd1: {  	s14 =	sor.u32 $0x420, s6;
	[tilespmem:v24+s11+$0x0 ss:$0x1] =	vst.idx.msk $0xffff, v41;
	v43 =	vld.idx.msk [tilespmem:v60+s21+$0x0], $0xffff  }
0xd2: {  	v54 =	vld.idx.msk [tilespmem:v51+s21+$0x0], $0xffff;
	[tilespmem:v24+s14+$0x0 ss:$0x1] =	vst.idx.msk $0xffff, v38  }
0xd3: {  	v55 =	vld.idx.msk [tilespmem:v52+s21+$0x0], $0xffff;
	[tilespmem:s25+$0x40] =	vst v37  }
0xd4: {  	v37 =	vld.idx.msk [tilespmem:v63+s21+$0x0], $0xffff  }
0xd5: {  	v56 =	vld.idx.msk [tilespmem:v49+s2+$0x0], $0xffff  }
0xd6: {  	v57 =	vld.idx.msk [tilespmem:v50+s2+$0x0], $0xffff  }
0xd7: {  	s15 =	sand.u32 $0x3, s18;
	v58 =	vld.idx.msk [tilespmem:v53+s2+$0x0], $0xffff  }
0xd8: {  	s17 =	sshll.u32 s15, $0x8;
	s16 =	sadd.s32 s12, s0;
	v59 =	vor.u32 v7, v21;
	v60 =	vld.idx.msk [tilespmem:v35+s2+$0x0], $0xffff  }
0xd9: {  	s0 =	sadd.s32 $0x400, s17;
	v61 =	vor.u32 v15, v17;
	v43 =	vld.idx.msk [tilespmem:v43+s2+$0x0], $0xffff;
	[dreg:$0x16] =	wrdreg s16  }
0xda: {  	s20 =	sadd.s32 $0x100, s0;
	v33 =	vor.u32 v16, v33;
	v40 =	vld.idx.msk [tilespmem:v54+s2+$0x0], $0xffff  }
0xdb: {  	p2 =	por !p2, !p2;
	s7 =	simm.s32 $0x1;
	s24 =	sor.u32 $0x400, s20;
	v42 =	vld.idx.msk [tilespmem:v55+s2+$0x0], $0xffff;
	[tilespmem:s29+$0x50] =	vst v57  }
0xdc: {  	s7 =	simm.s32 @!p2 $0x0;
	s23 =	sor.u32 $0x430, s4;
	v37 =	vld.idx.msk [tilespmem:v37+s2+$0x0], $0xffff;
	[dreg:$0x5] =	wrdreg s24  }
0xdd: {  	vm1 =	veq.s32 v1, $0x9;
	s19 =	sshll.u32 s7, $0x9;
	v62 =	vor.u32 v7, v19;
	[tilespmem:v24+s23+$0x0 ss:$0x1] =	vst.idx.msk $0xffff, v56;
	v41 =	vld.idx.msk [tilespmem:v59+s21+$0x0], $0xffff  }
0xde: {  	s8 =	sor.u32 $0x430, s6;
	s6 =	sadd.s32 $0x400, s19;
	v63 =	vsel vm1, $0x42740000, v43;
	v39 =	vld.idx.msk [tilespmem:v61+s21+$0x0], $0xffff;
	[dreg:$0x3] =	wrdreg s13  }
0xdf: {  	s5 =	sor.u32 $0x430, s5;
	s12 =	sor.u32 $0x420, s20;
	s31 =	sor.u32 $0x400, s6;
	[tilespmem:v33+s13+$0x0] =	vst.idx.msk $0x3ff, v63  }
0xe0: {  	s22 =	sor.u32 $0x430, s6;
	s30 =	simm.s32 $0x400;
	s10 =	sor.u32 $0x410, s6;
	[tilespmem:s26+$0x50] =	vst v58  }
0xe1: {  	v45 =	vor.u32 v7, v20;
	s11 =	sor.u32 $0x430, s20;
	s16 =	sor.u32 $0x420, s6;
	s6 =	simm.s32 $0xC;
	v33 =	vor.u32 $0x400, v34;
	v38 =	vld.idx.msk [tilespmem:v36+s2+$0x0], $0xffff;
	[tilespmem:s28+$0x50] =	vst v60  }
0xe2: {  	s23 =	sor.u32 $0x410, s20;
	v43 =	vor.u32 v7, v29;
	v36 =	vor.u32 v15, v18;
	s13 =	simm.s32 $0xB;
	v44 =	vor.u32 v12, v33;
	v35 =	vld.idx.msk [tilespmem:v62+s21+$0x0], $0xffff;
	[dreg:$0x6] =	wrdreg s30  }
.LBB2_3:
0xe3: {  	_ =	sdelay $0x3  }
0xe4: {  	v34 =	vmov s13  }
0xe5: {  	v59 =	vld.idx.msk [tilespmem:v45+s21+$0x0], $0xffff;
	v60 =	vshll.u32 v34, $0x8;
	v34 =	vshll.u32 v34, $0x7  }
0xe6: {  	v61 =	vand.u32 $0x3800, v60;
	v34 =	vand.u32 $0x380, v34;
	v39 =	vld.idx.msk [tilespmem:v39+s2+$0x0], $0xffff  }
0xe7: {  	v34 =	vor.u32 v34, v61;
	v41 =	vld.idx.msk [tilespmem:v41+s2+$0x0], $0xffff  }
0xe8: {  	[tilespmem:s25+$0x50] =	vst v37;
	v53 =	vor.u32 v0, v34;
	v35 =	vld.idx.msk [tilespmem:v35+s2+$0x0], $0xffff  }
0xe9: {  	v55 =	vor.u32 v16, v17;
	[tilespmem:v24+s5+$0x0 ss:$0x1] =	vst.idx.msk $0xffff, v40;
	v43 =	vld.idx.msk [tilespmem:v43+s21+$0x0], $0xffff  }
0xea: {  	v54 =	vor.u32 v8, v21;
	v17 =	vmov v19;
	[tilespmem:v24+s8+$0x0 ss:$0x1] =	vst.idx.msk $0xffff, v42;
	v62 =	vld.idx.msk [tilespmem:v36+s21+$0x0], $0xffff  }
0xeb: {  	v47 =	vor.u32 v8, v17;
	v63 =	vld.idx.msk [tilespmem:v44+s21+$0x0], $0xffff  }
0xec: {  	v44 =	vld.idx.msk [tilespmem:v32+s2+$0x0], $0xffff  }
0xed: {  	s7 =	rddreg [dreg:$0x3];
	v39 =	vsel vm1, $0x42740000, v39;
	v46 =	vld.idx.msk [tilespmem:v53+s21+$0x0], $0xffff;
	[tilespmem:s29+$0x60] =	vst v41  }
0xee: {  	v19 =	vmov v23;
	v56 =	vmov s6;
	s17 =	sadd.s32 $0x1, s6;
	s19 =	sadd.s32 $0x2, s6;
	v23 =	vld.idx.msk [tilespmem:v59+s2+$0x0], $0xffff;
	[tilespmem:v55+s7+$0x0] =	vst.idx.msk $0x3ff, v39  }
0xef: {  	v48 =	vor.u32 v8, v20;
	v57 =	vmov s17;
	v49 =	vmov s19;
	v32 =	vld.idx.msk [tilespmem:v54+s21+$0x0], $0xffff;
	[tilespmem:s26+$0x60] =	vst v35  }
0xf0: {  	v51 =	vshll.u32 v57, $0x8;
	v37 =	vshll.u32 v56, $0x7;
	v36 =	vshll.u32 v56, $0x8;
	v47 =	vld.idx.msk [tilespmem:v47+s21+$0x0], $0xffff  }
0xf1: {  	v61 =	vand.u32 $0x3800, v51;
	v37 =	vand.u32 $0x200, v37;
	v50 =	vand.u32 $0x3800, v36;
	v43 =	vld.idx.msk [tilespmem:v43+s2+$0x0], $0xffff  }
0xf2: {  	v42 =	vor.u32 v37, v50;
	v59 =	vor.u32 v8, v29;
	v41 =	vshll.u32 v57, $0x7;
	v58 =	vld.idx.msk [tilespmem:v62+s2+$0x0], $0xffff  }
0xf3: {  	v41 =	vand.u32 $0x280, v41;
	v54 =	vshll.u32 v49, $0x8;
	v49 =	vshll.u32 v49, $0x7;
	[tilespmem:s28+$0x60] =	vst v23;
	v60 =	vld.idx.msk [tilespmem:v63+s2+$0x0], $0xffff  }
0xf4: {  	v62 =	vor.u32 v16, v18;
	v23 =	vor.u32 v41, v61;
	v63 =	vor.u32 v0, v42;
	v53 =	vld.idx.msk [tilespmem:v48+s21+$0x0], $0xffff  }
0xf5: {  	v55 =	vand.u32 $0x300, v49;
	v18 =	vmovc v20;
	v20 =	vmovc v22;
	v22 =	vand.u32 $0x3800, v54;
	v41 =	vor.u32 v0, v23;
	v31 =	vld.idx.msk [tilespmem:v31+s2+$0x0], $0xffff  }
0xf6: {  	v22 =	vor.u32 v55, v22;
	v46 =	vld.idx.msk [tilespmem:v46+s2+$0x0], $0xffff  }
0xf7: {  	v56 =	vor.u32 v0, v22;
	[tilespmem:s25+$0x60] =	vst v43;
	v57 =	vld.idx.msk [tilespmem:v32+s2+$0x0], $0xffff  }
0xf8: {  	v33 =	vor.u32 v14, v33;
	s1 =	sadd.s32 $0x400, s1;
	s9 =	sadd.s32 $0x200, s9;
	v61 =	vor.u32 v2, v19;
	v43 =	vld.idx.msk [tilespmem:v59+s21+$0x0], $0xffff  }
0xf9: {  	s0 =	smov.u32 s22;
	s22 =	sand.u32 $0x3800, s1;
	s24 =	sadd.s32 $0xFFFFFF00, s9;
	v35 =	vld.idx.msk [tilespmem:v63+s21+$0x0], $0xffff  }
0xfa: {  	s13 =	sadd.s32 s22, s7;
	s8 =	smov.u32 s16;
	s16 =	sand.u32 $0x280, s24;
	v39 =	vsel vm1, $0x42740000, v58;
	v59 =	vor.u32 v2, v34;
	v32 =	vld.idx.msk [tilespmem:v41+s21+$0x0], $0xffff  }
0xfb: {  	s16 =	sadd.s32 s16, s13;
	v44 =	vsel vm0, $0x42700000, v44;
	[tilespmem:v62+s7+$0x0] =	vst.idx.msk $0x3ff, v39;
	v62 =	vor.u32 v2, v20;
	v47 =	vld.idx.msk [tilespmem:v47+s2+$0x0], $0xffff  }
0xfc: {  	s15 =	sand.u32 $0x380, s9;
	s17 =	sadd.s32 $0xFFFFFF80, s9;
	v58 =	vsel vm1, $0x42740000, v60;
	v60 =	vor.u32 v9, v21;
	v63 =	vsel vm0, $0x42700000, v31;
	[tilespmem:s16+$0x0] =	vst v44;
	v31 =	vld.idx.msk [tilespmem:v56+s21+$0x0], $0xffff  }
0xfd: {  	v52 =	vor.u32 v2, v30;
	s17 =	sand.u32 $0x300, s17;
	s15 =	sadd.s32 s15, s13;
	[tilespmem:v33+s7+$0x0] =	vst.idx.msk $0x3ff, v58;
	v41 =	vld.idx.msk [tilespmem:v61+s21+$0x0], $0xffff;
	v46 =	vsel vm0, $0x42700000, v46  }
0xfe: {  	s14 =	sadd.s32 $0xFFFFFE80, s9;
	s30 =	sadd.s32 s17, s13;
	v40 =	vld.idx.msk [tilespmem:v53+s2+$0x0], $0xffff;
	[tilespmem:s15+$0x0] =	vst v46  }
0xff: {  	s14 =	sand.u32 $0x200, s14;
	v53 =	vor.u32 v9, v17;
	[tilespmem:s30+$0x0] =	vst v63;
	v39 =	vld.idx.msk [tilespmem:v59+s21+$0x0], $0xffff  }
0x100: {  	s14 =	sadd.s32 s14, s13;
	v38 =	vsel vm0, $0x42700000, v38;
	v54 =	vor.u32 v9, v18;
	[tilespmem:s29+$0x70] =	vst v57;
	v55 =	vld.idx.msk [tilespmem:v62+s21+$0x0], $0xffff  }
0x101: {  	[tilespmem:s14+$0x0] =	vst v38;
	v33 =	vld.idx.msk [tilespmem:v60+s21+$0x0], $0xffff  }
0x102: {  	v45 =	vld.idx.msk [tilespmem:v52+s21+$0x0], $0xffff  }
0x103: {  	[tilespmem:s26+$0x70] =	vst v47;
	v43 =	vld.idx.msk [tilespmem:v43+s2+$0x0], $0xffff  }
0x104: {  	[tilespmem:s28+$0x70] =	vst v40;
	v56 =	vld.idx.msk [tilespmem:v53+s21+$0x0], $0xffff  }
0x105: {  	v57 =	vld.idx.msk [tilespmem:v54+s21+$0x0], $0xffff  }
0x106: {  	[dreg:$0x8] =	wrdreg s10;
	s18 =	sadd.s32 $0x2, s18;
	v58 =	vor.u32 v9, v29;
	v41 =	vld.idx.msk [tilespmem:v41+s2+$0x0], $0xffff  }
0x107: {  	p2 =	por !p2, !p2;
	s3 =	smov.u32 s31;
	s20 =	sand.u32 $0x3, s18;
	v39 =	vld.idx.msk [tilespmem:v39+s2+$0x0], $0xffff  }
0x108: {  	s10 =	sshll.u32 s20, $0x8;
	v61 =	vor.u32 v3, v19;
	s28 =	smov.u32 s30;
	s30 =	rddreg [dreg:$0x4];
	v38 =	vld.idx.msk [tilespmem:v55+s2+$0x0], $0xffff  }
0x109: {  	[dreg:$0x7] =	wrdreg s0;
	s10 =	sadd.s32 s1, s10;
	v59 =	vor.u32 v3, v34;
	s0 =	sadd.s32 $0x4, s30;
	[tilespmem:s25+$0x70] =	vst v43;
	v33 =	vld.idx.msk [tilespmem:v33+s2+$0x0], $0xffff  }
0x10a: {  	s29 =	smov.u32 s15;
	s26 =	smov.u32 s16;
	v62 =	vor.u32 v3, v20;
	s4 =	sand.u32 $0x7, s0;
	v45 =	vld.idx.msk [tilespmem:v45+s2+$0x0], $0xffff  }
0x10b: {  	v29 =	vmov v30;
	v60 =	vor.u32 v10, v21;
	s15 =	sshll.u32 s4, $0x7;
	s25 =	smov.u32 s14;
	s14 =	rddreg [dreg:$0x6];
	v46 =	vld.idx.msk [tilespmem:v58+s21+$0x0], $0xffff  }
0x10c: {  	s5 =	smov.u32 s11;
	s11 =	simm.s32 $0x1;
	v63 =	vor.u32 v3, v29;
	s16 =	sadd.s32 s14, s15;
	v50 =	vld.idx.msk [tilespmem:v56+s2+$0x0], $0xffff;
	[tilespmem:s26+$0x10] =	vst v41  }
0x10d: {  	s31 =	sadd.s32 $0x100, s10;
	s11 =	simm.s32 @!p2 $0x0;
	s15 =	sadd.s32 $0x180, s16;
	v53 =	vld.idx.msk [tilespmem:v61+s21+$0x0], $0xffff;
	[tilespmem:s29+$0x10] =	vst v39  }
0x10e: {  	s20 =	sor.u32 $0x400, s31;
	s11 =	sshll.u32 s11, $0x9;
	s4 =	sor.u32 $0x400, s15;
	[tilespmem:s28+$0x10] =	vst v38;
	v51 =	vld.idx.msk [tilespmem:v59+s21+$0x0], $0xffff  }
0x10f: {  	s19 =	sor.u32 $0x420, s31;
	s13 =	sor.u32 $0x410, s31;
	s11 =	sadd.s32 s11, s1;
	v54 =	vor.u32 v10, v17;
	[tilespmem:v24+s4+$0x0 ss:$0x1] =	vst.idx.msk $0xffff, v33;
	v38 =	vld.idx.msk [tilespmem:v62+s21+$0x0], $0xffff  }
0x110: {  	s10 =	sor.u32 $0x400, s11;
	s17 =	sor.u32 $0x410, s11;
	s24 =	sor.u32 $0x420, s11;
	[tilespmem:s25+$0x10] =	vst v45;
	v52 =	vld.idx.msk [tilespmem:v60+s21+$0x0], $0xffff  }
0x111: {  	s22 =	sor.u32 $0x430, s11;
	s11 =	sor.u32 $0x430, s31;
	s31 =	sadd.s32 $0x80, s16;
	v55 =	vld.idx.msk [tilespmem:v63+s21+$0x0], $0xffff  }
0x112: {  	[dreg:$0x4] =	wrdreg s0;
	s0 =	sor.u32 $0x400, s31;
	v56 =	vld.idx.msk [tilespmem:v57+s2+$0x0], $0xffff  }
0x113: {  	[tilespmem:v24+s0+$0x0 ss:$0x1] =	vst.idx.msk $0xffff, v50;
	v57 =	vld.idx.msk [tilespmem:v46+s2+$0x0], $0xffff  }
0x114: {  	v58 =	vld.idx.msk [tilespmem:v54+s21+$0x0], $0xffff  }
0x115: {  	v33 =	vor.u32 v26, v25;
	v59 =	vor.u32 v10, v18;
	v61 =	vld.idx.msk [tilespmem:v53+s2+$0x0], $0xffff  }
0x116: {  	v60 =	vor.u32 v10, v33;
	v40 =	vld.idx.msk [tilespmem:v51+s2+$0x0], $0xffff  }
0x117: {  	v62 =	vor.u32 v4, v34;
	v38 =	vld.idx.msk [tilespmem:v38+s2+$0x0], $0xffff  }
0x118: {  	s4 =	rddreg [dreg:$0x5];
	v41 =	vld.idx.msk [tilespmem:v52+s2+$0x0], $0xffff;
	v52 =	vor.u32 v4, v19  }
0x119: {  	v53 =	vor.u32 v4, v20;
	[tilespmem:v24+s4+$0x0 ss:$0x1] =	vst.idx.msk $0xffff, v56;
	v43 =	vld.idx.msk [tilespmem:v55+s2+$0x0], $0xffff  }
0x11a: {  	v63 =	vor.u32 v11, v21;
	[tilespmem:v24+s3+$0x0 ss:$0x1] =	vst.idx.msk $0xffff, v57;
	v46 =	vld.idx.msk [tilespmem:v59+s21+$0x0], $0xffff  }
0x11b: {  	s30 =	smov.u32 s1;
	v25 =	vmov v27;
	v27 =	vmov v36;
	v54 =	vor.u32 v4, v29;
	v36 =	vld.idx.msk [tilespmem:v60+s21+$0x0], $0xffff;
	[tilespmem:s29+$0x20] =	vst v40  }
0x11c: {  	[dreg:$0x6] =	wrdreg s30;
	s30 =	sor.u32 $0x410, s31;
	s16 =	sor.u32 $0x420, s31;
	[tilespmem:s26+$0x20] =	vst v61;
	v40 =	vld.idx.msk [tilespmem:v62+s21+$0x0], $0xffff  }
0x11d: {  	s14 =	sor.u32 $0x430, s31;
	s31 =	smov.u32 s10;
	s10 =	sor.u32 $0x410, s15;
	[tilespmem:s28+$0x20] =	vst v38;
	v56 =	vld.idx.msk [tilespmem:v52+s21+$0x0], $0xffff  }
0x11e: {  	[tilespmem:v24+s10+$0x0 ss:$0x1] =	vst.idx.msk $0xffff, v41;
	v38 =	vld.idx.msk [tilespmem:v53+s21+$0x0], $0xffff  }
0x11f: {  	[tilespmem:s25+$0x20] =	vst v43;
	v55 =	vld.idx.msk [tilespmem:v63+s21+$0x0], $0xffff  }
0x120: {  	v57 =	vld.idx.msk [tilespmem:v54+s21+$0x0], $0xffff  }
0x121: {  	v58 =	vld.idx.msk [tilespmem:v58+s2+$0x0], $0xffff  }
0x122: {  	v59 =	vld.idx.msk [tilespmem:v46+s2+$0x0], $0xffff  }
0x123: {  	v36 =	vld.idx.msk [tilespmem:v36+s2+$0x0], $0xffff  }
0x124: {  	v60 =	vor.u32 v11, v17;
	v40 =	vld.idx.msk [tilespmem:v40+s2+$0x0], $0xffff  }
0x125: {  	v61 =	vor.u32 v11, v18;
	v39 =	vld.idx.msk [tilespmem:v56+s2+$0x0], $0xffff  }
0x126: {  	v62 =	vor.u32 v5, v34;
	v38 =	vld.idx.msk [tilespmem:v38+s2+$0x0], $0xffff  }
0x127: {  	v48 =	vor.u32 v5, v19;
	v26 =	vmov v28;
	v28 =	vmov v37;
	[tilespmem:v24+s30+$0x0 ss:$0x1] =	vst.idx.msk $0xffff, v58;
	v37 =	vld.idx.msk [tilespmem:v55+s2+$0x0], $0xffff  }
0x128: {  	v49 =	vor.u32 v5, v20;
	[tilespmem:v24+s23+$0x0 ss:$0x1] =	vst.idx.msk $0xffff, v59;
	s23 =	smov.u32 s13;
	s13 =	rddreg [dreg:$0x8];
	v41 =	vld.idx.msk [tilespmem:v57+s2+$0x0], $0xffff  }
0x129: {  	v63 =	vor.u32 v13, v21;
	[tilespmem:v24+s13+$0x0 ss:$0x1] =	vst.idx.msk $0xffff, v36;
	v50 =	vld.idx.msk [tilespmem:v60+s21+$0x0], $0xffff  }
0x12a: {  	v51 =	vor.u32 v5, v29;
	v52 =	vld.idx.msk [tilespmem:v61+s21+$0x0], $0xffff;
	[tilespmem:s29+$0x30] =	vst v40  }
0x12b: {  	v54 =	vor.u32 v11, v33;
	[tilespmem:s26+$0x30] =	vst v39;
	v53 =	vld.idx.msk [tilespmem:v62+s21+$0x0], $0xffff  }
0x12c: {  	s4 =	smov.u32 s20;
	s20 =	sor.u32 $0x420, s15;
	[tilespmem:s28+$0x30] =	vst v38;
	v39 =	vld.idx.msk [tilespmem:v48+s21+$0x0], $0xffff  }
0x12d: {  	[tilespmem:v24+s20+$0x0 ss:$0x1] =	vst.idx.msk $0xffff, v37;
	v38 =	vld.idx.msk [tilespmem:v49+s21+$0x0], $0xffff  }
0x12e: {  	[tilespmem:s25+$0x30] =	vst v41;
	v37 =	vld.idx.msk [tilespmem:v63+s21+$0x0], $0xffff  }
0x12f: {  	v41 =	vld.idx.msk [tilespmem:v51+s21+$0x0], $0xffff  }
0x130: {  	v55 =	vld.idx.msk [tilespmem:v54+s21+$0x0], $0xffff  }
0x131: {  	v36 =	vld.idx.msk [tilespmem:v50+s2+$0x0], $0xffff  }
0x132: {  	v40 =	vld.idx.msk [tilespmem:v52+s2+$0x0], $0xffff  }
0x133: {  	v56 =	vld.idx.msk [tilespmem:v53+s2+$0x0], $0xffff  }
0x134: {  	v57 =	vor.u32 v13, v17;
	v39 =	vld.idx.msk [tilespmem:v39+s2+$0x0], $0xffff  }
0x135: {  	v58 =	vor.u32 v6, v34;
	v38 =	vld.idx.msk [tilespmem:v38+s2+$0x0], $0xffff  }
0x136: {  	v60 =	vor.u32 v6, v19;
	v37 =	vld.idx.msk [tilespmem:v37+s2+$0x0], $0xffff  }
0x137: {  	v61 =	vor.u32 v6, v20;
	[tilespmem:v24+s16+$0x0 ss:$0x1] =	vst.idx.msk $0xffff, v36;
	v41 =	vld.idx.msk [tilespmem:v41+s2+$0x0], $0xffff  }
0x138: {  	v30 =	vmov v42;
	v49 =	vor.u32 v13, v18;
	[tilespmem:v24+s12+$0x0 ss:$0x1] =	vst.idx.msk $0xffff, v40;
	v42 =	vld.idx.msk [tilespmem:v55+s2+$0x0], $0xffff  }
0x139: {  	v59 =	vor.u32 v15, v21;
	v63 =	vld.idx.msk [tilespmem:v57+s21+$0x0], $0xffff;
	[tilespmem:s29+$0x40] =	vst v56  }
0x13a: {  	v62 =	vor.u32 v6, v29;
	[tilespmem:s26+$0x40] =	vst v39;
	v48 =	vld.idx.msk [tilespmem:v58+s21+$0x0], $0xffff  }
0x13b: {  	v50 =	vor.u32 v13, v33;
	[tilespmem:s28+$0x40] =	vst v38;
	v52 =	vld.idx.msk [tilespmem:v60+s21+$0x0], $0xffff  }
0x13c: {  	s30 =	sor.u32 $0x430, s15;
	v36 =	vld.idx.msk [tilespmem:v61+s21+$0x0], $0xffff  }
0x13d: {  	[tilespmem:v24+s30+$0x0 ss:$0x1] =	vst.idx.msk $0xffff, v37;
	v54 =	vld.idx.msk [tilespmem:v49+s21+$0x0], $0xffff  }
0x13e: {  	[tilespmem:s25+$0x40] =	vst v41;
	v51 =	vld.idx.msk [tilespmem:v59+s21+$0x0], $0xffff  }
0x13f: {  	v53 =	vld.idx.msk [tilespmem:v62+s21+$0x0], $0xffff;
	[tilespmem:v24+s8+$0x0 ss:$0x1] =	vst.idx.msk $0xffff, v42  }
0x140: {  	v41 =	vld.idx.msk [tilespmem:v50+s21+$0x0], $0xffff  }
0x141: {  	v38 =	vld.idx.msk [tilespmem:v35+s2+$0x0], $0xffff  }
0x142: {  	v55 =	vld.idx.msk [tilespmem:v63+s2+$0x0], $0xffff  }
0x143: {  	v56 =	vld.idx.msk [tilespmem:v48+s2+$0x0], $0xffff  }
0x144: {  	v57 =	vld.idx.msk [tilespmem:v52+s2+$0x0], $0xffff  }
0x145: {  	v58 =	vor.u32 v7, v34;
	v59 =	vld.idx.msk [tilespmem:v36+s2+$0x0], $0xffff  }
0x146: {  	v60 =	vor.u32 v15, v17;
	v39 =	vld.idx.msk [tilespmem:v51+s2+$0x0], $0xffff  }
0x147: {  	p3 =	slt.u32 s6, $0x3C;
	v61 =	vor.u32 v16, v21;
	v62 =	vor.u32 v7, v19;
	v40 =	vld.idx.msk [tilespmem:v54+s2+$0x0], $0xffff  }
.Ltmp0:
0x148: {  	[tilespmem:v24+s14+$0x0 ss:$0x1] =	vst.idx.msk $0xffff, v55;
	v37 =	vld.idx.msk [tilespmem:v53+s2+$0x0], $0xffff;
	(pc) =	sbr.rel @p3 .LBB2_3-.Ltmp0, $4  }
0x149: {  	v42 =	vld.idx.msk [tilespmem:v41+s2+$0x0], $0xffff;
	[tilespmem:s29+$0x50] =	vst v56  }
0x14a: {  	v45 =	vor.u32 v7, v20;
	[dreg:$0x5] =	wrdreg s4;
	v33 =	vor.u32 $0x400, v33;
	[tilespmem:s28+$0x50] =	vst v59;
	v41 =	vld.idx.msk [tilespmem:v58+s21+$0x0], $0xffff  }
0x14b: {  	s10 =	smov.u32 s17;
	v43 =	vor.u32 v7, v29;
	s13 =	sadd.s32 $0x3, s6;
	s6 =	sadd.s32 $0x4, s6;
	v44 =	vor.u32 v12, v33;
	v63 =	vsel vm1, $0x42740000, v39;
	v39 =	vld.idx.msk [tilespmem:v60+s21+$0x0], $0xffff;
	[tilespmem:s26+$0x50] =	vst v57  }
0x14c: {  	s12 =	smov.u32 s19;
	s16 =	smov.u32 s24;
	v21 =	vmov v34;
	s8 =	rddreg [dreg:$0x7];
	v36 =	vor.u32 v15, v18;
	[tilespmem:v61+s7+$0x0] =	vst.idx.msk $0x3ff, v63;
	v35 =	vld.idx.msk [tilespmem:v62+s21+$0x0], $0xffff  }
0x14d: {  	v34 =	vmov s13  }
0x14e: {  	v46 =	vshll.u32 v34, $0x8;
	v34 =	vshll.u32 v34, $0x7  }
0x14f: {  	v46 =	vand.u32 $0x3800, v46;
	v34 =	vand.u32 $0x380, v34  }
0x150: {  	v34 =	vor.u32 v34, v46  }
0x151: {  	v46 =	vor.u32 v0, v34;
	_ =	sdelay $0x4  }
0x152: {  	v46 =	vld.idx.msk [tilespmem:v46+s21+$0x0], $0xffff;
	_ =	sdelay $0x6  }
0x153: {  	v32 =	vld.idx.msk [tilespmem:v32+s2+$0x0], $0xffff  }
0x154: {  	v46 =	vld.idx.msk [tilespmem:v46+s2+$0x0], $0xffff  }
0x155: {  	v31 =	vld.idx.msk [tilespmem:v31+s2+$0x0], $0xffff;
	s1 =	sadd.s32 $0x400, s1;
	s4 =	sadd.s32 $0x200, s9;
	v48 =	vor.u32 v2, v23  }
0x156: {  	s15 =	rddreg [dreg:$0x3];
	s0 =	sand.u32 $0x3800, s1;
	s9 =	sadd.s32 $0xFFFFFF00, s4;
	v47 =	vor.u32 v2, v34  }
0x157: {  	vm0 =	veq.s32 v1, $0x0;
	v49 =	vor.u32 v2, v22;
	s0 =	sadd.s32 s0, s15;
	s9 =	sand.u32 $0x280, s9  }
0x158: {  	s6 =	sand.u32 $0x380, s4;
	s24 =	sadd.s32 $0xFFFFFF80, s4;
	s14 =	sadd.s32 s9, s0;
	v32 =	vsel vm0, $0x42700000, v32  }
0x159: {  	v50 =	vor.u32 v2, v30;
	s13 =	sand.u32 $0x300, s24;
	s6 =	sadd.s32 s6, s0;
	[tilespmem:s14+$0x0] =	vst v32;
	v46 =	vsel vm0, $0x42700000, v46  }
0x15a: {  	s4 =	sadd.s32 $0xFFFFFE80, s4;
	s19 =	sadd.s32 s13, s0;
	v31 =	vsel vm0, $0x42700000, v31;
	v61 =	vld.idx.msk [tilespmem:v48+s21+$0x0], $0xffff;
	[tilespmem:s6+$0x0] =	vst v46  }
0x15b: {  	s4 =	sand.u32 $0x200, s4;
	[tilespmem:s19+$0x0] =	vst v31;
	v46 =	vld.idx.msk [tilespmem:v47+s21+$0x0], $0xffff  }
0x15c: {  	v60 =	vsel vm0, $0x42700000, v38;
	s30 =	sadd.s32 s4, s0;
	v31 =	vld.idx.msk [tilespmem:v49+s21+$0x0], $0xffff  }
0x15d: {  	[tilespmem:s30+$0x0] =	vst v60  }
0x15e: {  	v32 =	vld.idx.msk [tilespmem:v50+s21+$0x0], $0xffff;
	_ =	sdelay $0x3  }
0x15f: {  	v38 =	vld.idx.msk [tilespmem:v61+s2+$0x0], $0xffff  }
0x160: {  	v63 =	vor.u32 v3, v23;
	v46 =	vld.idx.msk [tilespmem:v46+s2+$0x0], $0xffff  }
0x161: {  	v62 =	vor.u32 v3, v34;
	v31 =	vld.idx.msk [tilespmem:v31+s2+$0x0], $0xffff  }
0x162: {  	v52 =	vor.u32 v3, v22  }
0x163: {  	v32 =	vld.idx.msk [tilespmem:v32+s2+$0x0], $0xffff  }
0x164: {  	v53 =	vor.u32 v3, v30;
	[tilespmem:s14+$0x10] =	vst v38  }
0x165: {  	v38 =	vld.idx.msk [tilespmem:v63+s21+$0x0], $0xffff;
	[tilespmem:s6+$0x10] =	vst v46  }
0x166: {  	[tilespmem:s19+$0x10] =	vst v31;
	v46 =	vld.idx.msk [tilespmem:v62+s21+$0x0], $0xffff  }
0x167: {  	v31 =	vld.idx.msk [tilespmem:v52+s21+$0x0], $0xffff  }
0x168: {  	[tilespmem:s30+$0x10] =	vst v32  }
0x169: {  	v32 =	vld.idx.msk [tilespmem:v53+s21+$0x0], $0xffff;
	_ =	sdelay $0x3  }
0x16a: {  	v38 =	vld.idx.msk [tilespmem:v38+s2+$0x0], $0xffff  }
0x16b: {  	v55 =	vor.u32 v4, v23;
	v46 =	vld.idx.msk [tilespmem:v46+s2+$0x0], $0xffff  }
0x16c: {  	v54 =	vor.u32 v4, v34;
	v31 =	vld.idx.msk [tilespmem:v31+s2+$0x0], $0xffff  }
0x16d: {  	v56 =	vor.u32 v4, v22;
	v45 =	vld.idx.msk [tilespmem:v45+s21+$0x0], $0xffff  }
0x16e: {  	[tilespmem:v24+s5+$0x0 ss:$0x1] =	vst.idx.msk $0xffff, v40;
	v32 =	vld.idx.msk [tilespmem:v32+s2+$0x0], $0xffff  }
0x16f: {  	v57 =	vor.u32 v4, v30;
	v36 =	vld.idx.msk [tilespmem:v36+s21+$0x0], $0xffff;
	[tilespmem:s14+$0x20] =	vst v38  }
0x170: {  	v59 =	vld.idx.msk [tilespmem:v55+s21+$0x0], $0xffff;
	[tilespmem:s6+$0x20] =	vst v46  }
0x171: {  	[tilespmem:s19+$0x20] =	vst v31;
	v58 =	vld.idx.msk [tilespmem:v54+s21+$0x0], $0xffff  }
0x172: {  	[tilespmem:v24+s8+$0x0 ss:$0x1] =	vst.idx.msk $0xffff, v42;
	v60 =	vld.idx.msk [tilespmem:v56+s21+$0x0], $0xffff  }
0x173: {  	v42 =	vld.idx.msk [tilespmem:v44+s21+$0x0], $0xffff;
	[tilespmem:s30+$0x20] =	vst v32  }
0x174: {  	v61 =	vld.idx.msk [tilespmem:v57+s21+$0x0], $0xffff  }
0x175: {  	v41 =	vld.idx.msk [tilespmem:v41+s2+$0x0], $0xffff  }
0x176: {  	v35 =	vld.idx.msk [tilespmem:v35+s2+$0x0], $0xffff;
	v52 =	vor.u32 v8, v21  }
0x177: {  	v45 =	vld.idx.msk [tilespmem:v45+s2+$0x0], $0xffff  }
0x178: {  	v63 =	vld.idx.msk [tilespmem:v59+s2+$0x0], $0xffff  }
0x179: {  	v49 =	vor.u32 v5, v23;
	v38 =	vld.idx.msk [tilespmem:v58+s2+$0x0], $0xffff  }
0x17a: {  	v48 =	vor.u32 v5, v34;
	[tilespmem:s29+$0x60] =	vst v41;
	v32 =	vld.idx.msk [tilespmem:v60+s2+$0x0], $0xffff  }
0x17b: {  	v50 =	vor.u32 v5, v22;
	v41 =	vld.idx.msk [tilespmem:v52+s21+$0x0], $0xffff  }
0x17c: {  	[tilespmem:s25+$0x50] =	vst v37;
	v37 =	vld.idx.msk [tilespmem:v61+s2+$0x0], $0xffff  }
0x17d: {  	v51 =	vor.u32 v5, v30;
	v62 =	vld.idx.msk [tilespmem:v43+s21+$0x0], $0xffff;
	[tilespmem:s14+$0x30] =	vst v63  }
0x17e: {  	v53 =	vld.idx.msk [tilespmem:v49+s21+$0x0], $0xffff;
	[tilespmem:s6+$0x30] =	vst v38  }
0x17f: {  	[tilespmem:s19+$0x30] =	vst v32;
	v38 =	vld.idx.msk [tilespmem:v48+s21+$0x0], $0xffff  }
0x180: {  	v54 =	vld.idx.msk [tilespmem:v50+s21+$0x0], $0xffff  }
0x181: {  	v31 =	vld.idx.msk [tilespmem:v39+s2+$0x0], $0xffff;
	[tilespmem:s30+$0x30] =	vst v37  }
0x182: {  	v39 =	vld.idx.msk [tilespmem:v51+s21+$0x0], $0xffff  }
0x183: {  	[tilespmem:s26+$0x60] =	vst v35;
	v35 =	vld.idx.msk [tilespmem:v42+s2+$0x0], $0xffff  }
0x184: {  	v41 =	vld.idx.msk [tilespmem:v41+s2+$0x0], $0xffff  }
0x185: {  	v40 =	vld.idx.msk [tilespmem:v62+s2+$0x0], $0xffff  }
0x186: {  	v55 =	vor.u32 v8, v19;
	v56 =	vld.idx.msk [tilespmem:v53+s2+$0x0], $0xffff  }
0x187: {  	v58 =	vor.u32 v6, v23;
	v38 =	vld.idx.msk [tilespmem:v38+s2+$0x0], $0xffff  }
0x188: {  	v57 =	vor.u32 v6, v34;
	v37 =	vld.idx.msk [tilespmem:v54+s2+$0x0], $0xffff  }
0x189: {  	v59 =	vor.u32 v6, v22;
	v32 =	vld.idx.msk [tilespmem:v36+s2+$0x0], $0xffff  }
0x18a: {  	v62 =	vor.u32 v8, v29;
	v39 =	vld.idx.msk [tilespmem:v39+s2+$0x0], $0xffff  }
0x18b: {  	v60 =	vor.u32 v6, v30;
	v36 =	vld.idx.msk [tilespmem:v55+s21+$0x0], $0xffff;
	[tilespmem:s14+$0x40] =	vst v56  }
0x18c: {  	v61 =	vor.u32 v8, v20;
	v46 =	vld.idx.msk [tilespmem:v58+s21+$0x0], $0xffff;
	[tilespmem:s6+$0x40] =	vst v38  }
0x18d: {  	v63 =	vor.u32 v9, v21;
	[tilespmem:s19+$0x40] =	vst v37;
	v44 =	vld.idx.msk [tilespmem:v57+s21+$0x0], $0xffff  }
0x18e: {  	[tilespmem:s25+$0x60] =	vst v40;
	v37 =	vld.idx.msk [tilespmem:v59+s21+$0x0], $0xffff  }
0x18f: {  	v40 =	vld.idx.msk [tilespmem:v62+s21+$0x0], $0xffff;
	[tilespmem:s30+$0x40] =	vst v39  }
0x190: {  	[tilespmem:s28+$0x60] =	vst v45;
	v39 =	vld.idx.msk [tilespmem:v60+s21+$0x0], $0xffff  }
0x191: {  	[tilespmem:s29+$0x70] =	vst v41;
	v38 =	vld.idx.msk [tilespmem:v61+s21+$0x0], $0xffff  }
0x192: {  	v42 =	vld.idx.msk [tilespmem:v63+s21+$0x0], $0xffff  }
0x193: {  	v36 =	vld.idx.msk [tilespmem:v36+s2+$0x0], $0xffff  }
0x194: {  	v49 =	vld.idx.msk [tilespmem:v46+s2+$0x0], $0xffff  }
0x195: {  	v51 =	vor.u32 v7, v23;
	v48 =	vld.idx.msk [tilespmem:v44+s2+$0x0], $0xffff  }
0x196: {  	v50 =	vor.u32 v7, v34;
	v37 =	vld.idx.msk [tilespmem:v37+s2+$0x0], $0xffff  }
0x197: {  	v52 =	vor.u32 v7, v22;
	v59 =	vld.idx.msk [tilespmem:v40+s2+$0x0], $0xffff  }
0x198: {  	v39 =	vld.idx.msk [tilespmem:v39+s2+$0x0], $0xffff  }
0x199: {  	v53 =	vor.u32 v7, v30;
	[tilespmem:s14+$0x50] =	vst v49;
	v38 =	vld.idx.msk [tilespmem:v38+s2+$0x0], $0xffff  }
0x19a: {  	v54 =	vor.u32 v9, v19;
	v57 =	vld.idx.msk [tilespmem:v51+s21+$0x0], $0xffff;
	[tilespmem:s6+$0x50] =	vst v48  }
0x19b: {  	[tilespmem:s19+$0x50] =	vst v37;
	v61 =	vor.u32 v9, v29;
	v55 =	vld.idx.msk [tilespmem:v50+s21+$0x0], $0xffff  }
0x19c: {  	[tilespmem:s26+$0x70] =	vst v36;
	v58 =	vld.idx.msk [tilespmem:v52+s21+$0x0], $0xffff  }
0x19d: {  	[tilespmem:s30+$0x50] =	vst v39  }
0x19e: {  	v41 =	vld.idx.msk [tilespmem:v53+s21+$0x0], $0xffff;
	[tilespmem:s28+$0x70] =	vst v38  }
0x19f: {  	v60 =	vld.idx.msk [tilespmem:v54+s21+$0x0], $0xffff;
	s7 =	rddreg [dreg:$0x4];
	[tilespmem:s25+$0x70] =	vst v59  }
0x1a0: {  	v56 =	vor.u32 v9, v20;
	v29 =	vld.idx.msk [tilespmem:v61+s21+$0x0], $0xffff  }
0x1a1: {  	v62 =	vld.idx.msk [tilespmem:v42+s2+$0x0], $0xffff  }
0x1a2: {  	v49 =	vld.idx.msk [tilespmem:v57+s2+$0x0], $0xffff  }
0x1a3: {  	v63 =	vld.idx.msk [tilespmem:v55+s2+$0x0], $0xffff  }
0x1a4: {  	v39 =	vld.idx.msk [tilespmem:v58+s2+$0x0], $0xffff;
	v48 =	vor.u32 v8, v34  }
0x1a5: {  	v37 =	vld.idx.msk [tilespmem:v56+s21+$0x0], $0xffff;
	v50 =	vor.u32 v8, v23  }
0x1a6: {  	v52 =	vor.u32 v8, v22;
	v51 =	vld.idx.msk [tilespmem:v41+s2+$0x0], $0xffff  }
0x1a7: {  	v53 =	vor.u32 v8, v30;
	v38 =	vld.idx.msk [tilespmem:v60+s2+$0x0], $0xffff;
	s0 =	sadd.s32 $0x4, s7  }
0x1a8: {  	s3 =	sand.u32 $0x7, s0;
	v29 =	vld.idx.msk [tilespmem:v29+s2+$0x0], $0xffff;
	[tilespmem:s6+$0x60] =	vst v63  }
0x1a9: {  	v54 =	vor.u32 v10, v21;
	s3 =	sshll.u32 s3, $0x7;
	s8 =	rddreg [dreg:$0x6];
	v43 =	vld.idx.msk [tilespmem:v48+s21+$0x0], $0xffff;
	[tilespmem:s14+$0x60] =	vst v49  }
0x1aa: {  	v25 =	vor.u32 v26, v25;
	v55 =	vor.u32 v10, v19;
	[tilespmem:s19+$0x60] =	vst v39;
	s4 =	sadd.s32 s8, s3;
	v44 =	vld.idx.msk [tilespmem:v50+s21+$0x0], $0xffff  }
0x1ab: {  	v63 =	vor.u32 v10, v25;
	[tilespmem:s30+$0x60] =	vst v51;
	v41 =	vld.idx.msk [tilespmem:v52+s21+$0x0], $0xffff;
	s3 =	sadd.s32 $0x180, s4  }
0x1ac: {  	v36 =	vld.idx.msk [tilespmem:v53+s21+$0x0], $0xffff;
	s5 =	sadd.s32 $0x80, s4;
	s13 =	sor.u32 $0x400, s3  }
0x1ad: {  	v37 =	vld.idx.msk [tilespmem:v37+s2+$0x0], $0xffff;
	s4 =	sor.u32 $0x400, s5;
	[tilespmem:v24+s13+$0x0 ss:$0x1] =	vst.idx.msk $0xffff, v62  }
0x1ae: {  	[tilespmem:v24+s4+$0x0 ss:$0x1] =	vst.idx.msk $0xffff, v38;
	v40 =	vld.idx.msk [tilespmem:v54+s21+$0x0], $0xffff  }
0x1af: {  	v38 =	vld.idx.msk [tilespmem:v55+s21+$0x0], $0xffff;
	s4 =	rddreg [dreg:$0x5];
	[tilespmem:v24+s31+$0x0 ss:$0x1] =	vst.idx.msk $0xffff, v29  }
0x1b0: {  	v56 =	vor.u32 v10, v20;
	v51 =	vld.idx.msk [tilespmem:v63+s21+$0x0], $0xffff  }
0x1b1: {  	v57 =	vld.idx.msk [tilespmem:v43+s2+$0x0], $0xffff  }
0x1b2: {  	v58 =	vor.u32 v9, v34;
	v44 =	vld.idx.msk [tilespmem:v44+s2+$0x0], $0xffff  }
0x1b3: {  	v59 =	vor.u32 v9, v23;
	v41 =	vld.idx.msk [tilespmem:v41+s2+$0x0], $0xffff  }
0x1b4: {  	v60 =	vor.u32 v9, v22;
	[tilespmem:v24+s4+$0x0 ss:$0x1] =	vst.idx.msk $0xffff, v37;
	v36 =	vld.idx.msk [tilespmem:v36+s2+$0x0], $0xffff  }
0x1b5: {  	v62 =	vor.u32 v9, v30;
	v39 =	vld.idx.msk [tilespmem:v56+s21+$0x0], $0xffff  }
0x1b6: {  	v61 =	vld.idx.msk [tilespmem:v40+s2+$0x0], $0xffff;
	[tilespmem:s6+$0x70] =	vst v57  }
0x1b7: {  	[tilespmem:s14+$0x70] =	vst v44;
	v42 =	vld.idx.msk [tilespmem:v58+s21+$0x0], $0xffff  }
0x1b8: {  	v47 =	vor.u32 v11, v21;
	[tilespmem:s19+$0x70] =	vst v41;
	v48 =	vld.idx.msk [tilespmem:v59+s21+$0x0], $0xffff  }
0x1b9: {  	[tilespmem:s30+$0x70] =	vst v36;
	v49 =	vld.idx.msk [tilespmem:v60+s21+$0x0], $0xffff  }
0x1ba: {  	v50 =	vld.idx.msk [tilespmem:v62+s21+$0x0], $0xffff  }
0x1bb: {  	s17 =	sor.u32 $0x410, s3;
	v52 =	vld.idx.msk [tilespmem:v38+s2+$0x0], $0xffff  }
0x1bc: {  	v30 =	vld.idx.msk [tilespmem:v51+s2+$0x0], $0xffff;
	[tilespmem:v24+s17+$0x0 ss:$0x1] =	vst.idx.msk $0xffff, v61  }
0x1bd: {  	v26 =	vld.idx.msk [tilespmem:v47+s21+$0x0], $0xffff  }
0x1be: {  	s0 =	sadd.s32 $0x4, s0;
	v53 =	vld.idx.msk [tilespmem:v39+s2+$0x0], $0xffff;
	v61 =	vor.u32 v11, v19  }
0x1bf: {  	s0 =	sand.u32 $0x7, s0;
	v62 =	vor.u32 v11, v20;
	v54 =	vld.idx.msk [tilespmem:v42+s2+$0x0], $0xffff  }
0x1c0: {  	s0 =	sshll.u32 s0, $0x7;
	v56 =	vld.idx.msk [tilespmem:v48+s2+$0x0], $0xffff  }
0x1c1: {  	s0 =	sadd.s32 s1, s0;
	s29 =	sor.u32 $0x410, s5;
	v55 =	vor.u32 v10, v34;
	s19 =	sadd.s32 $0x2, s18;
	v58 =	vld.idx.msk [tilespmem:v49+s2+$0x0], $0xffff  }
0x1c2: {  	p2 =	por !p2, !p2;
	s7 =	sadd.s32 $0x80, s0;
	v57 =	vor.u32 v10, v23;
	s4 =	sand.u32 $0x3, s19;
	[tilespmem:v24+s29+$0x0 ss:$0x1] =	vst.idx.msk $0xffff, v52;
	v29 =	vld.idx.msk [tilespmem:v50+s2+$0x0], $0xffff  }
0x1c3: {  	v27 =	vor.u32 v28, v27;
	s8 =	simm.s32 $0x1;
	s6 =	sadd.s32 $0x180, s0;
	v59 =	vor.u32 v10, v22;
	s4 =	sshll.u32 s4, $0x8;
	[tilespmem:v24+s23+$0x0 ss:$0x1] =	vst.idx.msk $0xffff, v53;
	v47 =	vld.idx.msk [tilespmem:v61+s21+$0x0], $0xffff  }
0x1c4: {  	s8 =	simm.s32 @!p2 $0x0;
	s20 =	sor.u32 $0x400, s6;
	v60 =	vor.u32 v10, v27;
	s4 =	sadd.s32 s1, s4;
	v48 =	vld.idx.msk [tilespmem:v62+s21+$0x0], $0xffff  }
0x1c5: {  	s25 =	sor.u32 $0x400, s7;
	s24 =	sshll.u32 s8, $0x9;
	s8 =	sadd.s32 $0x100, s4;
	v26 =	vld.idx.msk [tilespmem:v26+s2+$0x0], $0xffff;
	[tilespmem:v24+s20+$0x0 ss:$0x1] =	vst.idx.msk $0xffff, v54  }
0x1c6: {  	v45 =	vor.u32 v11, v25;
	s1 =	sadd.s32 s24, s1;
	s26 =	sor.u32 $0x400, s8;
	[tilespmem:v24+s25+$0x0 ss:$0x1] =	vst.idx.msk $0xffff, v56;
	v39 =	vld.idx.msk [tilespmem:v55+s21+$0x0], $0xffff  }
0x1c7: {  	s28 =	sor.u32 $0x400, s1;
	[tilespmem:v24+s26+$0x0 ss:$0x1] =	vst.idx.msk $0xffff, v58;
	v41 =	vld.idx.msk [tilespmem:v57+s21+$0x0], $0xffff  }
0x1c8: {  	[tilespmem:v24+s28+$0x0 ss:$0x1] =	vst.idx.msk $0xffff, v29;
	v28 =	vld.idx.msk [tilespmem:v59+s21+$0x0], $0xffff  }
0x1c9: {  	v46 =	vld.idx.msk [tilespmem:v60+s21+$0x0], $0xffff  }
0x1ca: {  	[tilespmem:v24+s10+$0x0 ss:$0x1] =	vst.idx.msk $0xffff, v30  }
0x1cb: {  	v29 =	vld.idx.msk [tilespmem:v45+s21+$0x0], $0xffff  }
0x1cc: {  	s30 =	sor.u32 $0x420, s3;
	v37 =	vld.idx.msk [tilespmem:v47+s2+$0x0], $0xffff  }
0x1cd: {  	v63 =	vor.u32 v13, v21;
	[tilespmem:v24+s30+$0x0 ss:$0x1] =	vst.idx.msk $0xffff, v26;
	v26 =	vld.idx.msk [tilespmem:v48+s2+$0x0], $0xffff  }
0x1ce: {  	v50 =	vld.idx.msk [tilespmem:v39+s2+$0x0], $0xffff  }
0x1cf: {  	v51 =	vor.u32 v11, v34;
	v52 =	vld.idx.msk [tilespmem:v41+s2+$0x0], $0xffff  }
0x1d0: {  	v53 =	vor.u32 v11, v23;
	v28 =	vld.idx.msk [tilespmem:v28+s2+$0x0], $0xffff  }
0x1d1: {  	v54 =	vor.u32 v11, v22;
	v36 =	vld.idx.msk [tilespmem:v46+s2+$0x0], $0xffff  }
0x1d2: {  	s31 =	sor.u32 $0x410, s6;
	v55 =	vor.u32 v11, v27;
	v49 =	vld.idx.msk [tilespmem:v63+s21+$0x0], $0xffff  }
0x1d3: {  	s4 =	sor.u32 $0x410, s7;
	v56 =	vor.u32 v13, v19;
	v61 =	vld.idx.msk [tilespmem:v29+s2+$0x0], $0xffff;
	[tilespmem:v24+s31+$0x0 ss:$0x1] =	vst.idx.msk $0xffff, v50  }
0x1d4: {  	s9 =	sor.u32 $0x410, s8;
	v58 =	vor.u32 v13, v20;
	[tilespmem:v24+s4+$0x0 ss:$0x1] =	vst.idx.msk $0xffff, v52;
	v39 =	vld.idx.msk [tilespmem:v51+s21+$0x0], $0xffff  }
0x1d5: {  	s10 =	sor.u32 $0x410, s1;
	[tilespmem:v24+s9+$0x0 ss:$0x1] =	vst.idx.msk $0xffff, v28;
	v57 =	vld.idx.msk [tilespmem:v53+s21+$0x0], $0xffff  }
0x1d6: {  	s13 =	sor.u32 $0x420, s5;
	v62 =	vor.u32 v13, v25;
	[tilespmem:v24+s10+$0x0 ss:$0x1] =	vst.idx.msk $0xffff, v36;
	v59 =	vld.idx.msk [tilespmem:v54+s21+$0x0], $0xffff  }
0x1d7: {  	[tilespmem:v24+s13+$0x0 ss:$0x1] =	vst.idx.msk $0xffff, v37;
	v60 =	vld.idx.msk [tilespmem:v55+s21+$0x0], $0xffff  }
0x1d8: {  	v37 =	vld.idx.msk [tilespmem:v56+s21+$0x0], $0xffff;
	[tilespmem:v24+s12+$0x0 ss:$0x1] =	vst.idx.msk $0xffff, v26  }
0x1d9: {  	v63 =	vld.idx.msk [tilespmem:v58+s21+$0x0], $0xffff  }
0x1da: {  	v30 =	vld.idx.msk [tilespmem:v49+s2+$0x0], $0xffff;
	[tilespmem:v24+s16+$0x0 ss:$0x1] =	vst.idx.msk $0xffff, v61  }
0x1db: {  	v29 =	vld.idx.msk [tilespmem:v62+s21+$0x0], $0xffff  }
0x1dc: {  	v39 =	vld.idx.msk [tilespmem:v39+s2+$0x0], $0xffff  }
0x1dd: {  	v48 =	vor.u32 v13, v34;
	v28 =	vld.idx.msk [tilespmem:v57+s2+$0x0], $0xffff  }
0x1de: {  	v49 =	vor.u32 v13, v23;
	v36 =	vld.idx.msk [tilespmem:v59+s2+$0x0], $0xffff  }
0x1df: {  	v51 =	vor.u32 v13, v22;
	v50 =	vld.idx.msk [tilespmem:v60+s2+$0x0], $0xffff  }
0x1e0: {  	s14 =	sor.u32 $0x420, s6;
	v52 =	vor.u32 v13, v27;
	v37 =	vld.idx.msk [tilespmem:v37+s2+$0x0], $0xffff  }
0x1e1: {  	s16 =	sor.u32 $0x420, s7;
	v38 =	vld.idx.msk [tilespmem:v63+s2+$0x0], $0xffff;
	[tilespmem:v24+s14+$0x0 ss:$0x1] =	vst.idx.msk $0xffff, v39  }
0x1e2: {  	s17 =	sor.u32 $0x420, s8;
	v53 =	vor.u32 v15, v21;
	[tilespmem:v24+s16+$0x0 ss:$0x1] =	vst.idx.msk $0xffff, v28;
	v54 =	vld.idx.msk [tilespmem:v48+s21+$0x0], $0xffff  }
0x1e3: {  	s18 =	sor.u32 $0x420, s1;
	v56 =	vor.u32 v15, v19;
	[tilespmem:v24+s17+$0x0 ss:$0x1] =	vst.idx.msk $0xffff, v36;
	v55 =	vld.idx.msk [tilespmem:v49+s21+$0x0], $0xffff  }
0x1e4: {  	v60 =	vor.u32 v15, v20;
	[tilespmem:v24+s18+$0x0 ss:$0x1] =	vst.idx.msk $0xffff, v50;
	v57 =	vld.idx.msk [tilespmem:v51+s21+$0x0], $0xffff  }
0x1e5: {  	s19 =	sor.u32 $0x430, s3;
	v58 =	vld.idx.msk [tilespmem:v52+s21+$0x0], $0xffff  }
0x1e6: {  	s20 =	sor.u32 $0x430, s5;
	[tilespmem:v24+s19+$0x0 ss:$0x1] =	vst.idx.msk $0xffff, v30;
	v29 =	vld.idx.msk [tilespmem:v29+s2+$0x0], $0xffff  }
0x1e7: {  	[tilespmem:v24+s20+$0x0 ss:$0x1] =	vst.idx.msk $0xffff, v37;
	v59 =	vld.idx.msk [tilespmem:v53+s21+$0x0], $0xffff  }
0x1e8: {  	v25 =	vor.u32 $0x400, v25;
	v26 =	vld.idx.msk [tilespmem:v56+s21+$0x0], $0xffff;
	[tilespmem:v24+s11+$0x0 ss:$0x1] =	vst.idx.msk $0xffff, v38  }
0x1e9: {  	v61 =	vor.u32 v12, v25;
	v46 =	vld.idx.msk [tilespmem:v60+s21+$0x0], $0xffff  }
0x1ea: {  	v28 =	vld.idx.msk [tilespmem:v54+s2+$0x0], $0xffff  }
0x1eb: {  	v62 =	vor.u32 v15, v34;
	v36 =	vld.idx.msk [tilespmem:v55+s2+$0x0], $0xffff  }
0x1ec: {  	v63 =	vor.u32 v15, v23;
	v39 =	vld.idx.msk [tilespmem:v57+s2+$0x0], $0xffff  }
0x1ed: {  	v45 =	vor.u32 v15, v22;
	v27 =	vor.u32 $0x400, v27;
	[tilespmem:v24+s22+$0x0 ss:$0x1] =	vst.idx.msk $0xffff, v29;
	v30 =	vld.idx.msk [tilespmem:v58+s2+$0x0], $0xffff  }
0x1ee: {  	s23 =	sor.u32 $0x430, s6;
	v47 =	vor.u32 v12, v27;
	v48 =	vld.idx.msk [tilespmem:v61+s21+$0x0], $0xffff  }
0x1ef: {  	s24 =	sor.u32 $0x430, s7;
	v52 =	vld.idx.msk [tilespmem:v59+s2+$0x0], $0xffff;
	[tilespmem:v24+s23+$0x0 ss:$0x1] =	vst.idx.msk $0xffff, v28  }
0x1f0: {  	s25 =	sor.u32 $0x430, s8;
	[tilespmem:v24+s24+$0x0 ss:$0x1] =	vst.idx.msk $0xffff, v36;
	v49 =	vld.idx.msk [tilespmem:v62+s21+$0x0], $0xffff  }
0x1f1: {  	s26 =	sor.u32 $0x430, s1;
	[tilespmem:v24+s25+$0x0 ss:$0x1] =	vst.idx.msk $0xffff, v39;
	v50 =	vld.idx.msk [tilespmem:v63+s21+$0x0], $0xffff  }
0x1f2: {  	v17 =	vor.u32 v16, v17;
	[tilespmem:v24+s26+$0x0 ss:$0x1] =	vst.idx.msk $0xffff, v30;
	v51 =	vld.idx.msk [tilespmem:v45+s21+$0x0], $0xffff  }
0x1f3: {  	v18 =	vor.u32 v16, v18;
	v30 =	vld.idx.msk [tilespmem:v47+s21+$0x0], $0xffff  }
0x1f4: {  	v53 =	vor.u32 v16, v21;
	v26 =	vld.idx.msk [tilespmem:v26+s2+$0x0], $0xffff  }
0x1f5: {  	v19 =	vor.u32 v16, v19  }
0x1f6: {  	v33 =	vor.u32 v14, v33;
	v31 =	vsel vm1, $0x42740000, v31;
	v29 =	vld.idx.msk [tilespmem:v46+s2+$0x0], $0xffff  }
0x1f7: {  	vm15 =	veq.s32 v1, $0x9;
	[tilespmem:v17+s15+$0x0] =	vst.idx.msk $0x3ff, v31;
	v17 =	vsel vm1, $0x42740000, v32;
	v54 =	vor.u32 v16, v20;
	v28 =	vld.idx.msk [tilespmem:v48+s2+$0x0], $0xffff  }
0x1f8: {  	[tilespmem:v18+s15+$0x0] =	vst.idx.msk $0x3ff, v17;
	v17 =	vor.u32 v14, v25;
	v56 =	vsel vm15, $0x42740000, v52;
	v18 =	vld.idx.msk [tilespmem:v49+s2+$0x0], $0xffff  }
0x1f9: {  	v59 =	vsel vm15, $0x42740000, v26;
	v57 =	vor.u32 v16, v34;
	[tilespmem:v53+s15+$0x0] =	vst.idx.msk $0x3ff, v56;
	v58 =	vld.idx.msk [tilespmem:v50+s2+$0x0], $0xffff  }
0x1fa: {  	v60 =	vor.u32 v16, v23;
	v55 =	vsel vm1, $0x42740000, v35;
	[tilespmem:v19+s15+$0x0] =	vst.idx.msk $0x3ff, v59;
	v24 =	vld.idx.msk [tilespmem:v51+s2+$0x0], $0xffff  }
0x1fb: {  	[tilespmem:v33+s15+$0x0] =	vst.idx.msk $0x3ff, v55;
	v19 =	vsel vm15, $0x42740000, v29;
	v62 =	vor.u32 v16, v22;
	v61 =	vld.idx.msk [tilespmem:v30+s2+$0x0], $0xffff  }
0x1fc: {  	[tilespmem:v54+s15+$0x0] =	vst.idx.msk $0x3ff, v19;
	v19 =	vor.u32 v14, v27;
	v63 =	vsel vm15, $0x42740000, v28  }
0x1fd: {  	[tilespmem:v17+s15+$0x0] =	vst.idx.msk $0x3ff, v63;
	v17 =	vsel vm15, $0x42740000, v18  }
0x1fe: {  	s28 =	rddreg [dreg:$0x14];
	[tilespmem:v57+s15+$0x0] =	vst.idx.msk $0x3ff, v17;
	v17 =	vsel vm15, $0x42740000, v58  }
0x1ff: {  	[tilespmem:v60+s15+$0x0] =	vst.idx.msk $0x3ff, v17;
	v17 =	vsel vm15, $0x42740000, v24  }
0x200: {  	p6 =	seq.s32 s28, $0x7;
	v18 =	vsel vm15, $0x42740000, v61;
	s0 =	rddreg [dreg:$0x16];
	[tilespmem:v62+s15+$0x0] =	vst.idx.msk $0x3ff, v17  }
0x201: {  	p1 =	por p6, p1;
	[tilespmem:v19+s15+$0x0] =	vst.idx.msk $0x3ff, v18  }
0x202: {  	s0 =	sshll.u32 @p1 s0, $0xB;
	s1 =	rddreg [dreg:$0x15]  }
0x203: {  	s3 =	rddreg [dreg:$0xa];
	s0 =	sand.u32 @p1 $0x1FFFF800, s0  }
0x204: {  	s1 =	sadd.s32 @p1 $0x3, s1;
	s0 =	sadd.s32 @p1 s3, s0;
	s3 =	simm.s32 @p1 $0x0  }
0x205: {  	[hbm4b:s0+s3] =	stream.linear.scatter @p1 [tilespmem:s15], [sflag:s1], $0x4000, $0x38;
	[tilespmem:$0x10080] =	vst v63  }
0x206: {  	p2 =	seq.s32 s28, $0x0;
	s3 =	rddreg [dreg:$0x10]  }
0x207: {  	s1 =	sand.u32 @!p2 $0x1, s3  }
0x208: {  	s1 =	sadd.s32 @!p2 $0x3, s1  }
0x209: {  	s29 =	rddreg [dreg:$0x13];
	s0 =	simm.s32 $0x1;
	_ =	swait.ge @!p2 [sflag:s1], $0x4000  }
0x20a: {  	s5 =	sadd.s32 $0x1, s28;
	s0 =	simm.s32 @!p0 $0x0;
	[sflag:s1] =	ssyncset.done @!p2 $0x0  }
0x20b: {  	p0 =	sne.s32 s28, $0x0;
	[sflag:s1] =	ssyncadd.s32 @!p2 $0xFFFFC000;
	s1 =	simm.s32 $0x1  }
0x20c: {  	s1 =	simm.s32 @!p0 $0x0;
	p0 =	sne.s32 s5, $0x8  }
.Ltmp1:
0x20d: {  	_ = 	snop;
	(pc) =	sbr.rel @p0 .LBB2_2-.Ltmp1, $4  }
0x20e: {  	s4 =	sadd.s32 s0, s29;
	s0 =	simm.s32 $0x1  }
0x20f: {  	s0 =	simm.s32 @!p1 $0x0;
	s30 =	rddreg [dreg:$0x11]  }
0x210: {  	s31 =	rddreg [dreg:$0x12];
	s7 =	sadd.s32 s0, s30  }
0x211: {  	s8 =	sadd.s32 s0, s31;
	s0 =	rddreg [dreg:$0xf];
	s3 =	sadd.s32 s1, s3  }
0x212: {  	s1 =	simm.s32 $0x4  }
0x213: {  	_ =	swait.ge [sflag:s1], $0x4000  }
0x214: {  	s3 =	rddreg [dreg:$0xe]  }
0x215: {  	s0 =	rddreg [dreg:$0xd];
	s3 =	sadd.s32 $0x1, s3  }
0x216: {  	p0 =	sne.s32 s3, s0  }
.Ltmp2:
0x217: {  	_ = 	snop;
	(pc) =	sbr.rel @p0 .LBB2_1-.Ltmp2, $3  }
0x218: {  	_ =	sdelay $0x1  }
0x219: {  	[sflag:s1] =	ssyncset.done $0x0  }
0x21a: {  	[sflag:s1] =	ssyncadd.s32 $0xFFFFC000  }
0x21b: {  	_ =	sfence.sel $0x180000  }
0x21c: {  	[bflag:$0x0] =	sbarrier.arrive $0xFFFF  }
0x21d: {  	_ =	strace $0x90000047  }
0x21e: {  	s0 =	stileid.u32;
	[bflag:$0x2] =	sbarrier.arrive $0xFFFF  }
0x21f: {  	p0 =	sne.s32 s0, $0x0;
	s0 =	rddreg [dreg:$0x2]  }
0x220: {  	s0 =	sadd.s32 @!p0 $0x100000, s0  }
0x221: {  	[sflag:s0] =	ssyncadd.tile.s32 @!p0 $0x1;
	_ =	shalt  }
.Lfunc_end2:
_tile_overlayer_lowered:
.L_overlay_start_2:
0x222: {  	(tag) =	ssettag $0x2  }
0x223: {  	s0 =	rddreg [dreg:$0x0];
	s2 =	stileid.u32  }
0x224: {  	s1 =	rddreg [dreg:$0x1];
	p0 =	sne.s32 s2, $0x0  }
0x225: {  	s3 =	rddreg [dreg:$0x2];
	[bflag:$0x3] =	sbarrier.arrive $0xFFFF;
	s2 =	simm.s32 @!p0 $0x1C01  }
0x226: {  	[timem:s3], [sflag:s2] =	dma.local @!p0 [hbm:s0], s1  }
0x227: {  	s0 =	simm.s32 @!p0 $0x1  }
0x228: {  	_ =	swait.ge @!p0 [sflag:s0], s1  }
0x229: {  	s1 =	ssub.s32 @!p0 $0x0, s1;
	[sflag:s0] =	ssyncset.done @!p0 $0x0  }
0x22a: {  	[sflag:s0] =	ssyncadd.s32 @!p0 s1  }
0x22b: {  	[bflag:$0x3] =	sbarrier.arrive $0xFFFF  }
0x22c: {  	_ =	shalt  }

</sc_bundles>
